<compile_context>
chip_gen: v7x
topology: tpu7x:2x2x1
jax: 0.10.2.dev20260603
libtpu: 0.0.44.dev20260713+nightly
codegen_flags: <defaults>
</compile_context>

<pallas_src>
import functools

import jax
import jax.numpy as jnp
from jax import lax
from jax.experimental import pallas as pl
from jax.experimental.pallas import tpu as pltpu
from jax.experimental.pallas import tpu_sc as plsc

_N = 10000
_E = 320000
_H = 128
_HH = 64
_K = 40
_NB = _E // (16 * _K)
_NC = 10
_CB = _NB // _NC
_NP = 10240
_RS = _NP // 16
_ZR = _RS // 5


def _sc_edge_kernel(x_hbm, srcr, dstr, tvec, acc_out,
                    acc_s, src_ch, dst_ch, gbuf0, gbuf1, obuf0, obuf1, tv,
                    gsem0, gsem1, ssem0, ssem1):
    c = lax.axis_index("c")
    s = lax.axis_index("s")
    pltpu.sync_copy(tvec, tv)
    tval = tv[...]

    zero16 = jnp.zeros((16,), jnp.float32)

    def zbody(i, carry):
        r = i // 8
        q = i % 8
        obuf0[r, pl.ds(q * 16, 16)] = zero16
        return carry

    lax.fori_loop(0, _K * 8, zbody, 0)

    base = s * _RS
    for k in range(_RS // _K):
        pltpu.sync_copy(obuf0, acc_s.at[pl.ds(base + k * _K, _K)])
    plsc.subcore_barrier()

    choff = c * _HH

    def compute(gbuf, obuf):
        @plsc.parallel_loop(0, _K, step=1, unroll=4)
        def comp(r):
            for q in range(4):
                v = gbuf[r, pl.ds(choff + q * 16, 16)]
                m = jnp.maximum(v, 0.0) + 1e-7
                e = jnp.exp(m * tval)
                obuf[r, pl.ds(q * 16, 16)] = e
                obuf[r, pl.ds(64 + q * 16, 16)] = m * e

    bufs = None

    def chunk(j, carry):
        pltpu.sync_copy(srcr.at[s, j], src_ch)
        pltpu.sync_copy(dstr.at[s, j], dst_ch)
        pltpu.async_copy(x_hbm.at[src_ch.at[0]], gbuf0, gsem0)

        ring = ((gbuf0, obuf0, gsem0, ssem0), (gbuf1, obuf1, gsem1, ssem1))

        def pair(p, carry1):
            for k in range(2):
                b = 2 * p + k
                gb, ob, gs, ss = ring[k]
                ngb, _no, ngs, _ns = ring[1 - k]

                @pl.when(b + 1 < _CB)
                def _start_next():
                    pltpu.async_copy(x_hbm.at[src_ch.at[b + 1]], ngb, ngs)

                pltpu.make_async_copy(x_hbm.at[src_ch.at[b]], gb, gs).wait()

                @pl.when(b >= 2)
                def _drain_prev():
                    pltpu.make_async_copy(ob, acc_s.at[dst_ch.at[b]], ss).wait()

                compute(gb, ob)
                pltpu.async_copy(ob, acc_s.at[dst_ch.at[b]], ss, add=True)
            return carry1

        lax.fori_loop(0, _CB // 2, pair, 0)
        pltpu.make_async_copy(obuf0, acc_s.at[dst_ch.at[0]], ssem0).wait()
        pltpu.make_async_copy(obuf1, acc_s.at[dst_ch.at[0]], ssem1).wait()
        return carry

    lax.fori_loop(0, _NC, chunk, 0)
    plsc.subcore_barrier()

    pltpu.sync_copy(acc_s.at[pl.ds(base, _RS)], acc_out.at[c, pl.ds(base, _RS)])


@functools.lru_cache(maxsize=1)
def _make_edge_pass():
  return pl.kernel(
    _sc_edge_kernel,
    out_type=[jax.ShapeDtypeStruct((2, _NP, _H), jnp.float32)],
    mesh=plsc.VectorSubcoreMesh(core_axis_name="c", subcore_axis_name="s"),
    scratch_types=[
        pltpu.VMEM_SHARED((_NP, _H), jnp.float32),
        pltpu.VMEM((_CB, _K), jnp.int32),
        pltpu.VMEM((_CB, _K), jnp.int32),
        pltpu.VMEM((_K, _H), jnp.float32),
        pltpu.VMEM((_K, _H), jnp.float32),
        pltpu.VMEM((_K, _H), jnp.float32),
        pltpu.VMEM((_K, _H), jnp.float32),
        pltpu.VMEM((16,), jnp.float32),
        pltpu.SemaphoreType.DMA,
        pltpu.SemaphoreType.DMA,
        pltpu.SemaphoreType.DMA,
        pltpu.SemaphoreType.DMA,
    ],
  )

_BR = 1000


def _tc_dense_kernel(x_ref, den_ref, num_ref, w1_ref, b1_ref, g1_ref, be1_ref,
                     w2_ref, b2_ref, gn_ref, bn_ref, o_ref):
    x = x_ref[...]
    aggr = num_ref[...] / (den_ref[...] + 1e-16)
    h0 = aggr + x
    h = lax.dot_general(h0, w1_ref[...], (((1,), (0,)), ((), ())),
                        precision=lax.Precision.HIGHEST,
                        preferred_element_type=jnp.float32) + b1_ref[...]
    mu = jnp.mean(h, axis=-1, keepdims=True)
    var = jnp.mean((h - mu) ** 2, axis=-1, keepdims=True)
    h = (h - mu) / jnp.sqrt(var + 1e-5) * g1_ref[...] + be1_ref[...]
    h = jnp.maximum(h, 0.0)
    h2 = lax.dot_general(h, w2_ref[...], (((1,), (0,)), ((), ())),
                         precision=lax.Precision.HIGHEST,
                         preferred_element_type=jnp.float32) + b2_ref[...]
    mu2 = jnp.mean(h2, axis=-1, keepdims=True)
    var2 = jnp.mean((h2 - mu2) ** 2, axis=-1, keepdims=True)
    h2 = (h2 - mu2) / jnp.sqrt(var2 + 1e-5) * gn_ref[...] + bn_ref[...]
    g = 0.5 * h2 * (1.0 + lax.erf(h2 * 0.70710678118654752))
    o_ref[...] = x + g


_dense_pass = pl.pallas_call(
    _tc_dense_kernel,
    grid=(_N // _BR,),
    in_specs=[
        pl.BlockSpec((_BR, _H), lambda i: (i, 0)),
        pl.BlockSpec((_BR, _H), lambda i: (i, 0)),
        pl.BlockSpec((_BR, _H), lambda i: (i, 0)),
        pl.BlockSpec((_H, 2 * _H), lambda i: (0, 0)),
        pl.BlockSpec((1, 2 * _H), lambda i: (0, 0)),
        pl.BlockSpec((1, 2 * _H), lambda i: (0, 0)),
        pl.BlockSpec((1, 2 * _H), lambda i: (0, 0)),
        pl.BlockSpec((2 * _H, _H), lambda i: (0, 0)),
        pl.BlockSpec((1, _H), lambda i: (0, 0)),
        pl.BlockSpec((1, _H), lambda i: (0, 0)),
        pl.BlockSpec((1, _H), lambda i: (0, 0)),
    ],
    out_specs=pl.BlockSpec((_BR, _H), lambda i: (i, 0)),
    out_shape=jax.ShapeDtypeStruct((_N, _H), jnp.float32),
)


@jax.jit
def kernel(x, edge_index, W1, b1, g1, be1, W2, b2, t, gn, bn):
    srcr = edge_index[0].reshape(16, _NC, _CB, _K)
    dstr = edge_index[1].reshape(16, _NC, _CB, _K)
    tvec = jnp.full((16,), t, jnp.float32)

    (acc,) = _make_edge_pass()(x, srcr, dstr, tvec)
    den = jnp.concatenate([acc[0, :_N, :_HH], acc[1, :_N, :_HH]], axis=1)
    num = jnp.concatenate([acc[0, :_N, _HH:], acc[1, :_N, _HH:]], axis=1)

    return _dense_pass(x, den, num, W1,
                       b1.reshape(1, -1), g1.reshape(1, -1), be1.reshape(1, -1),
                       W2, b2.reshape(1, -1), gn.reshape(1, -1), bn.reshape(1, -1))

# --- scband reference (transcript-rebuilt; emitter-appended) ---
"""Pipeline reference for scband-patch-gcn-module-3332894622590 (READ-ONLY COPY).

The authoritative reference and input builder live on the scoring server;
editing this copy changes nothing except your own understanding.
"""

import jax, jax.numpy as jnp
import numpy as np

N = 10000
E = 320000
H = 128


def _layer_norm(x, g, b, eps=1e-5):
    mu = jnp.mean(x, axis=-1, keepdims=True)
    var = jnp.mean((x - mu) ** 2, axis=-1, keepdims=True)
    return (x - mu) / jnp.sqrt(var + eps) * g + b


def setup_inputs(seed: int = 0):
    key = jax.random.key(seed)
    ks = jax.random.split(key, 8)
    x = jax.random.normal(ks[0], (N, H), dtype=jnp.float32)
    edge_index = jax.random.randint(ks[1], (2, E), 0, N, dtype=jnp.int32)
    W1 = jax.random.normal(ks[2], (H, 2 * H), dtype=jnp.float32) * (1.0 / np.sqrt(H))
    b1 = jnp.zeros((2 * H,), dtype=jnp.float32)
    g1 = jnp.ones((2 * H,), dtype=jnp.float32)
    be1 = jnp.zeros((2 * H,), dtype=jnp.float32)
    W2 = jax.random.normal(ks[3], (2 * H, H), dtype=jnp.float32) * (1.0 / np.sqrt(2 * H))
    b2 = jnp.zeros((H,), dtype=jnp.float32)
    t = jnp.array(1.0, dtype=jnp.float32)
    gn = jnp.ones((H,), dtype=jnp.float32)
    bn = jnp.zeros((H,), dtype=jnp.float32)
    return {"x": x, "edge_index": edge_index, "W1": W1, "b1": b1, "g1": g1,
            "be1": be1, "W2": W2, "b2": b2, "t": t, "gn": gn, "bn": bn}


def _genconv(x, src, dst, W1, b1, g1, be1, W2, b2, t):
    # GENConv message: msg = relu(x_j) + eps
    msg = jnp.maximum(x[src], 0.0) + 1e-7
    # softmax aggregation (temperature t, learnable) over destination segments
    logits = msg * t
    seg_max = jax.ops.segment_max(logits, dst, num_segments=N)
    seg_max = jnp.where(jnp.isfinite(seg_max), seg_max, 0.0)
    ex = jnp.exp(logits - seg_max[dst])
    denom = jax.ops.segment_sum(ex, dst, num_segments=N)
    alpha = ex / (denom[dst] + 1e-16)
    aggr = jax.ops.segment_sum(msg * alpha, dst, num_segments=N)
    # root residual then MLP: Linear(H,2H) -> LayerNorm -> ReLU -> Linear(2H,H)
    out = aggr + x
    h = out @ W1 + b1
    h = _layer_norm(h, g1, be1)
    h = jnp.maximum(h, 0.0)
    h = h @ W2 + b2
    return h


def reference(x, edge_index, W1, b1, g1, be1, W2, b2, t, gn, bn):
    # DeepGCNLayer block='res' (eval mode, dropout identity):
    # h = conv(x); h = norm(h); h = act(h); return x + h
    src, dst = edge_index[0], edge_index[1]
    h = _genconv(x, src, dst, W1, b1, g1, be1, W2, b2, t)
    h = _layer_norm(h, gn, bn)
    h = jax.nn.gelu(h, approximate=False)
    return x + h

if __name__ == "__main__":
    import jax
    _d = setup_inputs()
    print(jax.jit(kernel)(*tuple(_d.values())))

</pallas_src>

<mosaic_0001>
#map = affine_map<(d0, d1) -> (0, 0)>
#map1 = affine_map<(d0, d1) -> (0, 0, 0, 0)>
#map2 = affine_map<(d0, d1) -> (0)>
#map3 = affine_map<(d0, d1) -> (0, 0, 0)>
module attributes {stable_mosaic.version = 14 : i64} {
  func.func @_sc_edge_kernel(%arg0: i32, %arg1: i32, %arg2: memref<10000x128xf32, #tpu.memory_space<hbm>>, %arg3: memref<16x10x50x40xi32, #tpu.memory_space<hbm>>, %arg4: memref<16x10x50x40xi32, #tpu.memory_space<hbm>>, %arg5: memref<16xf32, #tpu.memory_space<hbm>>, %arg6: memref<2x10240x128xf32, #tpu.memory_space<hbm>>, %arg7: memref<10240x128xf32, #tpu.memory_space<vmem_shared>>, %arg8: memref<50x40xi32, #tpu.memory_space<vmem>>, %arg9: memref<50x40xi32, #tpu.memory_space<vmem>>, %arg10: memref<40x128xf32, #tpu.memory_space<vmem>>, %arg11: memref<40x128xf32, #tpu.memory_space<vmem>>, %arg12: memref<40x128xf32, #tpu.memory_space<vmem>>, %arg13: memref<40x128xf32, #tpu.memory_space<vmem>>, %arg14: memref<16xf32, #tpu.memory_space<vmem>>, %arg15: memref<!tpu.dma_semaphore, #tpu.memory_space<semaphore_mem>>, %arg16: memref<!tpu.dma_semaphore, #tpu.memory_space<semaphore_mem>>, %arg17: memref<!tpu.dma_semaphore, #tpu.memory_space<semaphore_mem>>, %arg18: memref<!tpu.dma_semaphore, #tpu.memory_space<semaphore_mem>>) attributes {dimension_semantics = [#tpu.dimension_semantics<core_parallel>, #tpu.dimension_semantics<subcore_parallel>], iteration_bounds = array<i64: 2, 16>, scalar_prefetch = 0 : i64, scratch_operands = 12 : i64, tpu.core_type = #tpu.core_type<sc_vector_subcore>, window_params = [{transform_indices = #map}, {transform_indices = #map1}, {transform_indices = #map1}, {transform_indices = #map2}, {transform_indices = #map3}]} {
    "tpu.region"() ({
      %run_scoped3A = tpu.sem_alloc : memref<!tpu.dma_semaphore, #tpu.memory_space<semaphore_mem>>
      tpu.enqueue_dma source(%arg5 : memref<16xf32, #tpu.memory_space<hbm>>) target(%arg14 : memref<16xf32, #tpu.memory_space<vmem>>) target_semaphore(%run_scoped3A : memref<!tpu.dma_semaphore, #tpu.memory_space<semaphore_mem>>)
      tpu.wait_dma2 semaphore(%run_scoped3A : memref<!tpu.dma_semaphore, #tpu.memory_space<semaphore_mem>>) src(%arg5 : memref<16xf32, #tpu.memory_space<hbm>>) dst(%arg14 : memref<16xf32, #tpu.memory_space<vmem>>)
      tpu.yield
    }) : () -> ()
    %get3A = arith.constant 0 : index
    %get3A_0 = tpu.vector_load %arg14[%get3A] {strides = array<i32>} : memref<16xf32, #tpu.memory_space<vmem>>, vector<16xf32>,
    %get3A_1 = vector.shape_cast %get3A_0 : vector<16xf32> to vector<16xf32>
    %broadcast_in_dim3A = arith.constant 0.000000e+00 : f32
    %broadcast_in_dim3A_2 = vector.broadcast %broadcast_in_dim3A : f32 to vector<16xf32>
    %scan3A = arith.constant 0 : i32
    %scan3A_3 = arith.constant 0 : i32
    %scan3A_4 = arith.constant 320 : i32
    %scan3A_5 = arith.addi %scan3A_3, %scan3A_4 : i32
    %scan3A_6 = arith.constant 1 : i32
    scf.for %scan3A_49 = %scan3A_3 to %scan3A_5 step %scan3A_6  : i32 {
      %jit3A = arith.constant 8 : i32
      %div3A = arith.divsi %scan3A_49, %jit3A : i32
      %sign3A = arith.constant 0 : i32
      %sign3A_50 = arith.cmpi sgt, %scan3A_49, %sign3A : i32
      %sign3A_51 = arith.extui %sign3A_50 : i1 to i32
      %sign3A_52 = arith.constant 0 : i32
      %sign3A_53 = arith.cmpi slt, %scan3A_49, %sign3A_52 : i32
      %sign3A_54 = arith.extui %sign3A_53 : i1 to i32
      %sign3A_55 = arith.subi %sign3A_51, %sign3A_54 : i32
      %sign3A_56 = arith.constant 0 : i32
      %sign3A_57 = arith.cmpi sgt, %jit3A, %sign3A_56 : i32
      %sign3A_58 = arith.extui %sign3A_57 : i1 to i32
      %sign3A_59 = arith.constant 0 : i32
      %sign3A_60 = arith.cmpi slt, %jit3A, %sign3A_59 : i32
      %sign3A_61 = arith.extui %sign3A_60 : i1 to i32
      %sign3A_62 = arith.subi %sign3A_58, %sign3A_61 : i32
      %ne3A = arith.cmpi ne, %sign3A_55, %sign3A_62 : i32
      %rem3A = arith.remsi %scan3A_49, %jit3A : i32
      %ne3A_63 = arith.constant 0 : i32
      %ne3A_64 = arith.cmpi ne, %rem3A, %ne3A_63 : i32
      %and3A = arith.andi %ne3A, %ne3A_64 : i1
      %sub3A = arith.constant 1 : i32
      %sub3A_65 = arith.subi %div3A, %sub3A : i32
      %select_n3A = arith.select %and3A, %sub3A_65, %div3A : i32
      %jit3A_66 = arith.constant 8 : i32
      %eq3A = arith.constant 0 : i32
      %eq3A_67 = arith.cmpi eq, %jit3A_66, %eq3A : i32
      %jit3A_68 = arith.constant 1 : i32
      %select_n3A_69 = arith.select %eq3A_67, %jit3A_68, %jit3A_66 : i32
      %rem3A_70 = arith.remsi %scan3A_49, %select_n3A_69 : i32
      %ne3A_71 = arith.constant 0 : i32
      %ne3A_72 = arith.cmpi ne, %rem3A_70, %ne3A_71 : i32
      %lt3A = arith.constant 0 : i32
      %lt3A_73 = arith.cmpi slt, %rem3A_70, %lt3A : i32
      %lt3A_74 = arith.constant 0 : i32
      %lt3A_75 = arith.cmpi slt, %select_n3A_69, %lt3A_74 : i32
      %ne3A_76 = arith.xori %lt3A_73, %lt3A_75 : i1
      %and3A_77 = arith.andi %ne3A_76, %ne3A_72 : i1
      %add3A_78 = arith.addi %rem3A_70, %select_n3A_69 : i32
      %select_n3A_79 = arith.select %and3A_77, %add3A_78, %rem3A_70 : i32
      %mul3A_80 = arith.constant 16 : i32
      %mul3A_81 = arith.muli %select_n3A_79, %mul3A_80 : i32
      %swap3A = arith.index_cast %select_n3A : i32 to index
      %swap3A_82 = arith.index_cast %mul3A_81 : i32 to index
      %swap3A_83 = tpu.vector_load %arg12[%swap3A, %swap3A_82] {strides = array<i32>} : memref<40x128xf32, #tpu.memory_space<vmem>>, vector<1x16xf32>,
      %swap3A_84 = vector.shape_cast %swap3A_83 : vector<1x16xf32> to vector<16xf32>
      %swap3A_85 = vector.shape_cast %broadcast_in_dim3A_2 : vector<16xf32> to vector<1x16xf32>
      tpu.vector_store %arg12[%swap3A, %swap3A_82], %swap3A_85 {strides = array<i32>} : memref<40x128xf32, #tpu.memory_space<vmem>>, vector<1x16xf32>,
    }
    %scan3A_7 = arith.constant 320 : i32
    %mul3A = arith.constant 640 : i32
    %mul3A_8 = arith.muli %arg1, %mul3A : i32
    %add3A = arith.constant 0 : i32
    %add3A_9 = arith.addi %mul3A_8, %add3A : i32
    "tpu.region"() ({
      %run_scoped3A = tpu.sem_alloc : memref<!tpu.dma_semaphore, #tpu.memory_space<semaphore_mem>>
      %dma_start3A = arith.constant 0 : i32
      %dma_start3A_49 = tpu.memref_slice %arg7[%add3A_9, %dma_start3A] : memref<10240x128xf32, #tpu.memory_space<vmem_shared>> -> memref<40x128xf32, #tpu.memory_space<vmem_shared>>
      %dma_start3A_50 = arith.constant 0 : i32
      %dma_start3A_51 = tpu.memref_slice %arg7[%add3A_9, %dma_start3A_50] : memref<10240x128xf32, #tpu.memory_space<vmem_shared>> -> memref<40x128xf32, #tpu.memory_space<vmem_shared>>
      tpu.enqueue_dma source(%arg12 : memref<40x128xf32, #tpu.memory_space<vmem>>) target(%dma_start3A_51 : memref<40x128xf32, #tpu.memory_space<vmem_shared>>) target_semaphore(%run_scoped3A : memref<!tpu.dma_semaphore, #tpu.memory_space<semaphore_mem>>)
      %dma_wait3A = arith.constant 0 : i32
      %dma_wait3A_52 = tpu.memref_slice %arg7[%add3A_9, %dma_wait3A] : memref<10240x128xf32, #tpu.memory_space<vmem_shared>> -> memref<40x128xf32, #tpu.memory_space<vmem_shared>>
      %dma_wait3A_53 = arith.constant 0 : i32
      %dma_wait3A_54 = tpu.memref_slice %arg7[%add3A_9, %dma_wait3A_53] : memref<10240x128xf32, #tpu.memory_space<vmem_shared>> -> memref<40x128xf32, #tpu.memory_space<vmem_shared>>
      tpu.wait_dma2 semaphore(%run_scoped3A : memref<!tpu.dma_semaphore, #tpu.memory_space<semaphore_mem>>) src(%arg12 : memref<40x128xf32, #tpu.memory_space<vmem>>) dst(%dma_wait3A_54 : memref<40x128xf32, #tpu.memory_space<vmem_shared>>)
      tpu.yield
    }) : () -> ()
    %add3A_10 = arith.constant 40 : i32
    %add3A_11 = arith.addi %mul3A_8, %add3A_10 : i32
    "tpu.region"() ({
      %run_scoped3A = tpu.sem_alloc : memref<!tpu.dma_semaphore, #tpu.memory_space<semaphore_mem>>
      %dma_start3A = arith.constant 0 : i32
      %dma_start3A_49 = tpu.memref_slice %arg7[%add3A_11, %dma_start3A] : memref<10240x128xf32, #tpu.memory_space<vmem_shared>> -> memref<40x128xf32, #tpu.memory_space<vmem_shared>>
      %dma_start3A_50 = arith.constant 0 : i32
      %dma_start3A_51 = tpu.memref_slice %arg7[%add3A_11, %dma_start3A_50] : memref<10240x128xf32, #tpu.memory_space<vmem_shared>> -> memref<40x128xf32, #tpu.memory_space<vmem_shared>>
      tpu.enqueue_dma source(%arg12 : memref<40x128xf32, #tpu.memory_space<vmem>>) target(%dma_start3A_51 : memref<40x128xf32, #tpu.memory_space<vmem_shared>>) target_semaphore(%run_scoped3A : memref<!tpu.dma_semaphore, #tpu.memory_space<semaphore_mem>>)
      %dma_wait3A = arith.constant 0 : i32
      %dma_wait3A_52 = tpu.memref_slice %arg7[%add3A_11, %dma_wait3A] : memref<10240x128xf32, #tpu.memory_space<vmem_shared>> -> memref<40x128xf32, #tpu.memory_space<vmem_shared>>
      %dma_wait3A_53 = arith.constant 0 : i32
      %dma_wait3A_54 = tpu.memref_slice %arg7[%add3A_11, %dma_wait3A_53] : memref<10240x128xf32, #tpu.memory_space<vmem_shared>> -> memref<40x128xf32, #tpu.memory_space<vmem_shared>>
      tpu.wait_dma2 semaphore(%run_scoped3A : memref<!tpu.dma_semaphore, #tpu.memory_space<semaphore_mem>>) src(%arg12 : memref<40x128xf32, #tpu.memory_space<vmem>>) dst(%dma_wait3A_54 : memref<40x128xf32, #tpu.memory_space<vmem_shared>>)
      tpu.yield
    }) : () -> ()
    %add3A_12 = arith.constant 80 : i32
    %add3A_13 = arith.addi %mul3A_8, %add3A_12 : i32
    "tpu.region"() ({
      %run_scoped3A = tpu.sem_alloc : memref<!tpu.dma_semaphore, #tpu.memory_space<semaphore_mem>>
      %dma_start3A = arith.constant 0 : i32
      %dma_start3A_49 = tpu.memref_slice %arg7[%add3A_13, %dma_start3A] : memref<10240x128xf32, #tpu.memory_space<vmem_shared>> -> memref<40x128xf32, #tpu.memory_space<vmem_shared>>
      %dma_start3A_50 = arith.constant 0 : i32
      %dma_start3A_51 = tpu.memref_slice %arg7[%add3A_13, %dma_start3A_50] : memref<10240x128xf32, #tpu.memory_space<vmem_shared>> -> memref<40x128xf32, #tpu.memory_space<vmem_shared>>
      tpu.enqueue_dma source(%arg12 : memref<40x128xf32, #tpu.memory_space<vmem>>) target(%dma_start3A_51 : memref<40x128xf32, #tpu.memory_space<vmem_shared>>) target_semaphore(%run_scoped3A : memref<!tpu.dma_semaphore, #tpu.memory_space<semaphore_mem>>)
      %dma_wait3A = arith.constant 0 : i32
      %dma_wait3A_52 = tpu.memref_slice %arg7[%add3A_13, %dma_wait3A] : memref<10240x128xf32, #tpu.memory_space<vmem_shared>> -> memref<40x128xf32, #tpu.memory_space<vmem_shared>>
      %dma_wait3A_53 = arith.constant 0 : i32
      %dma_wait3A_54 = tpu.memref_slice %arg7[%add3A_13, %dma_wait3A_53] : memref<10240x128xf32, #tpu.memory_space<vmem_shared>> -> memref<40x128xf32, #tpu.memory_space<vmem_shared>>
      tpu.wait_dma2 semaphore(%run_scoped3A : memref<!tpu.dma_semaphore, #tpu.memory_space<semaphore_mem>>) src(%arg12 : memref<40x128xf32, #tpu.memory_space<vmem>>) dst(%dma_wait3A_54 : memref<40x128xf32, #tpu.memory_space<vmem_shared>>)
      tpu.yield
    }) : () -> ()
    %add3A_14 = arith.constant 120 : i32
    %add3A_15 = arith.addi %mul3A_8, %add3A_14 : i32
    "tpu.region"() ({
      %run_scoped3A = tpu.sem_alloc : memref<!tpu.dma_semaphore, #tpu.memory_space<semaphore_mem>>
      %dma_start3A = arith.constant 0 : i32
      %dma_start3A_49 = tpu.memref_slice %arg7[%add3A_15, %dma_start3A] : memref<10240x128xf32, #tpu.memory_space<vmem_shared>> -> memref<40x128xf32, #tpu.memory_space<vmem_shared>>
      %dma_start3A_50 = arith.constant 0 : i32
      %dma_start3A_51 = tpu.memref_slice %arg7[%add3A_15, %dma_start3A_50] : memref<10240x128xf32, #tpu.memory_space<vmem_shared>> -> memref<40x128xf32, #tpu.memory_space<vmem_shared>>
      tpu.enqueue_dma source(%arg12 : memref<40x128xf32, #tpu.memory_space<vmem>>) target(%dma_start3A_51 : memref<40x128xf32, #tpu.memory_space<vmem_shared>>) target_semaphore(%run_scoped3A : memref<!tpu.dma_semaphore, #tpu.memory_space<semaphore_mem>>)
      %dma_wait3A = arith.constant 0 : i32
      %dma_wait3A_52 = tpu.memref_slice %arg7[%add3A_15, %dma_wait3A] : memref<10240x128xf32, #tpu.memory_space<vmem_shared>> -> memref<40x128xf32, #tpu.memory_space<vmem_shared>>
      %dma_wait3A_53 = arith.constant 0 : i32
      %dma_wait3A_54 = tpu.memref_slice %arg7[%add3A_15, %dma_wait3A_53] : memref<10240x128xf32, #tpu.memory_space<vmem_shared>> -> memref<40x128xf32, #tpu.memory_space<vmem_shared>>
      tpu.wait_dma2 semaphore(%run_scoped3A : memref<!tpu.dma_semaphore, #tpu.memory_space<semaphore_mem>>) src(%arg12 : memref<40x128xf32, #tpu.memory_space<vmem>>) dst(%dma_wait3A_54 : memref<40x128xf32, #tpu.memory_space<vmem_shared>>)
      tpu.yield
    }) : () -> ()
    %add3A_16 = arith.constant 160 : i32
    %add3A_17 = arith.addi %mul3A_8, %add3A_16 : i32
    "tpu.region"() ({
      %run_scoped3A = tpu.sem_alloc : memref<!tpu.dma_semaphore, #tpu.memory_space<semaphore_mem>>
      %dma_start3A = arith.constant 0 : i32
      %dma_start3A_49 = tpu.memref_slice %arg7[%add3A_17, %dma_start3A] : memref<10240x128xf32, #tpu.memory_space<vmem_shared>> -> memref<40x128xf32, #tpu.memory_space<vmem_shared>>
      %dma_start3A_50 = arith.constant 0 : i32
      %dma_start3A_51 = tpu.memref_slice %arg7[%add3A_17, %dma_start3A_50] : memref<10240x128xf32, #tpu.memory_space<vmem_shared>> -> memref<40x128xf32, #tpu.memory_space<vmem_shared>>
      tpu.enqueue_dma source(%arg12 : memref<40x128xf32, #tpu.memory_space<vmem>>) target(%dma_start3A_51 : memref<40x128xf32, #tpu.memory_space<vmem_shared>>) target_semaphore(%run_scoped3A : memref<!tpu.dma_semaphore, #tpu.memory_space<semaphore_mem>>)
      %dma_wait3A = arith.constant 0 : i32
      %dma_wait3A_52 = tpu.memref_slice %arg7[%add3A_17, %dma_wait3A] : memref<10240x128xf32, #tpu.memory_space<vmem_shared>> -> memref<40x128xf32, #tpu.memory_space<vmem_shared>>
      %dma_wait3A_53 = arith.constant 0 : i32
      %dma_wait3A_54 = tpu.memref_slice %arg7[%add3A_17, %dma_wait3A_53] : memref<10240x128xf32, #tpu.memory_space<vmem_shared>> -> memref<40x128xf32, #tpu.memory_space<vmem_shared>>
      tpu.wait_dma2 semaphore(%run_scoped3A : memref<!tpu.dma_semaphore, #tpu.memory_space<semaphore_mem>>) src(%arg12 : memref<40x128xf32, #tpu.memory_space<vmem>>) dst(%dma_wait3A_54 : memref<40x128xf32, #tpu.memory_space<vmem_shared>>)
      tpu.yield
    }) : () -> ()
    %add3A_18 = arith.constant 200 : i32
    %add3A_19 = arith.addi %mul3A_8, %add3A_18 : i32
    "tpu.region"() ({
      %run_scoped3A = tpu.sem_alloc : memref<!tpu.dma_semaphore, #tpu.memory_space<semaphore_mem>>
      %dma_start3A = arith.constant 0 : i32
      %dma_start3A_49 = tpu.memref_slice %arg7[%add3A_19, %dma_start3A] : memref<10240x128xf32, #tpu.memory_space<vmem_shared>> -> memref<40x128xf32, #tpu.memory_space<vmem_shared>>
      %dma_start3A_50 = arith.constant 0 : i32
      %dma_start3A_51 = tpu.memref_slice %arg7[%add3A_19, %dma_start3A_50] : memref<10240x128xf32, #tpu.memory_space<vmem_shared>> -> memref<40x128xf32, #tpu.memory_space<vmem_shared>>
      tpu.enqueue_dma source(%arg12 : memref<40x128xf32, #tpu.memory_space<vmem>>) target(%dma_start3A_51 : memref<40x128xf32, #tpu.memory_space<vmem_shared>>) target_semaphore(%run_scoped3A : memref<!tpu.dma_semaphore, #tpu.memory_space<semaphore_mem>>)
      %dma_wait3A = arith.constant 0 : i32
      %dma_wait3A_52 = tpu.memref_slice %arg7[%add3A_19, %dma_wait3A] : memref<10240x128xf32, #tpu.memory_space<vmem_shared>> -> memref<40x128xf32, #tpu.memory_space<vmem_shared>>
      %dma_wait3A_53 = arith.constant 0 : i32
      %dma_wait3A_54 = tpu.memref_slice %arg7[%add3A_19, %dma_wait3A_53] : memref<10240x128xf32, #tpu.memory_space<vmem_shared>> -> memref<40x128xf32, #tpu.memory_space<vmem_shared>>
      tpu.wait_dma2 semaphore(%run_scoped3A : memref<!tpu.dma_semaphore, #tpu.memory_space<semaphore_mem>>) src(%arg12 : memref<40x128xf32, #tpu.memory_space<vmem>>) dst(%dma_wait3A_54 : memref<40x128xf32, #tpu.memory_space<vmem_shared>>)
      tpu.yield
    }) : () -> ()
    %add3A_20 = arith.constant 240 : i32
    %add3A_21 = arith.addi %mul3A_8, %add3A_20 : i32
    "tpu.region"() ({
      %run_scoped3A = tpu.sem_alloc : memref<!tpu.dma_semaphore, #tpu.memory_space<semaphore_mem>>
      %dma_start3A = arith.constant 0 : i32
      %dma_start3A_49 = tpu.memref_slice %arg7[%add3A_21, %dma_start3A] : memref<10240x128xf32, #tpu.memory_space<vmem_shared>> -> memref<40x128xf32, #tpu.memory_space<vmem_shared>>
      %dma_start3A_50 = arith.constant 0 : i32
      %dma_start3A_51 = tpu.memref_slice %arg7[%add3A_21, %dma_start3A_50] : memref<10240x128xf32, #tpu.memory_space<vmem_shared>> -> memref<40x128xf32, #tpu.memory_space<vmem_shared>>
      tpu.enqueue_dma source(%arg12 : memref<40x128xf32, #tpu.memory_space<vmem>>) target(%dma_start3A_51 : memref<40x128xf32, #tpu.memory_space<vmem_shared>>) target_semaphore(%run_scoped3A : memref<!tpu.dma_semaphore, #tpu.memory_space<semaphore_mem>>)
      %dma_wait3A = arith.constant 0 : i32
      %dma_wait3A_52 = tpu.memref_slice %arg7[%add3A_21, %dma_wait3A] : memref<10240x128xf32, #tpu.memory_space<vmem_shared>> -> memref<40x128xf32, #tpu.memory_space<vmem_shared>>
      %dma_wait3A_53 = arith.constant 0 : i32
      %dma_wait3A_54 = tpu.memref_slice %arg7[%add3A_21, %dma_wait3A_53] : memref<10240x128xf32, #tpu.memory_space<vmem_shared>> -> memref<40x128xf32, #tpu.memory_space<vmem_shared>>
      tpu.wait_dma2 semaphore(%run_scoped3A : memref<!tpu.dma_semaphore, #tpu.memory_space<semaphore_mem>>) src(%arg12 : memref<40x128xf32, #tpu.memory_space<vmem>>) dst(%dma_wait3A_54 : memref<40x128xf32, #tpu.memory_space<vmem_shared>>)
      tpu.yield
    }) : () -> ()
    %add3A_22 = arith.constant 280 : i32
    %add3A_23 = arith.addi %mul3A_8, %add3A_22 : i32
    "tpu.region"() ({
      %run_scoped3A = tpu.sem_alloc : memref<!tpu.dma_semaphore, #tpu.memory_space<semaphore_mem>>
      %dma_start3A = arith.constant 0 : i32
      %dma_start3A_49 = tpu.memref_slice %arg7[%add3A_23, %dma_start3A] : memref<10240x128xf32, #tpu.memory_space<vmem_shared>> -> memref<40x128xf32, #tpu.memory_space<vmem_shared>>
      %dma_start3A_50 = arith.constant 0 : i32
      %dma_start3A_51 = tpu.memref_slice %arg7[%add3A_23, %dma_start3A_50] : memref<10240x128xf32, #tpu.memory_space<vmem_shared>> -> memref<40x128xf32, #tpu.memory_space<vmem_shared>>
      tpu.enqueue_dma source(%arg12 : memref<40x128xf32, #tpu.memory_space<vmem>>) target(%dma_start3A_51 : memref<40x128xf32, #tpu.memory_space<vmem_shared>>) target_semaphore(%run_scoped3A : memref<!tpu.dma_semaphore, #tpu.memory_space<semaphore_mem>>)
      %dma_wait3A = arith.constant 0 : i32
      %dma_wait3A_52 = tpu.memref_slice %arg7[%add3A_23, %dma_wait3A] : memref<10240x128xf32, #tpu.memory_space<vmem_shared>> -> memref<40x128xf32, #tpu.memory_space<vmem_shared>>
      %dma_wait3A_53 = arith.constant 0 : i32
      %dma_wait3A_54 = tpu.memref_slice %arg7[%add3A_23, %dma_wait3A_53] : memref<10240x128xf32, #tpu.memory_space<vmem_shared>> -> memref<40x128xf32, #tpu.memory_space<vmem_shared>>
      tpu.wait_dma2 semaphore(%run_scoped3A : memref<!tpu.dma_semaphore, #tpu.memory_space<semaphore_mem>>) src(%arg12 : memref<40x128xf32, #tpu.memory_space<vmem>>) dst(%dma_wait3A_54 : memref<40x128xf32, #tpu.memory_space<vmem_shared>>)
      tpu.yield
    }) : () -> ()
    %add3A_24 = arith.constant 320 : i32
    %add3A_25 = arith.addi %mul3A_8, %add3A_24 : i32
    "tpu.region"() ({
      %run_scoped3A = tpu.sem_alloc : memref<!tpu.dma_semaphore, #tpu.memory_space<semaphore_mem>>
      %dma_start3A = arith.constant 0 : i32
      %dma_start3A_49 = tpu.memref_slice %arg7[%add3A_25, %dma_start3A] : memref<10240x128xf32, #tpu.memory_space<vmem_shared>> -> memref<40x128xf32, #tpu.memory_space<vmem_shared>>
      %dma_start3A_50 = arith.constant 0 : i32
      %dma_start3A_51 = tpu.memref_slice %arg7[%add3A_25, %dma_start3A_50] : memref<10240x128xf32, #tpu.memory_space<vmem_shared>> -> memref<40x128xf32, #tpu.memory_space<vmem_shared>>
      tpu.enqueue_dma source(%arg12 : memref<40x128xf32, #tpu.memory_space<vmem>>) target(%dma_start3A_51 : memref<40x128xf32, #tpu.memory_space<vmem_shared>>) target_semaphore(%run_scoped3A : memref<!tpu.dma_semaphore, #tpu.memory_space<semaphore_mem>>)
      %dma_wait3A = arith.constant 0 : i32
      %dma_wait3A_52 = tpu.memref_slice %arg7[%add3A_25, %dma_wait3A] : memref<10240x128xf32, #tpu.memory_space<vmem_shared>> -> memref<40x128xf32, #tpu.memory_space<vmem_shared>>
      %dma_wait3A_53 = arith.constant 0 : i32
      %dma_wait3A_54 = tpu.memref_slice %arg7[%add3A_25, %dma_wait3A_53] : memref<10240x128xf32, #tpu.memory_space<vmem_shared>> -> memref<40x128xf32, #tpu.memory_space<vmem_shared>>
      tpu.wait_dma2 semaphore(%run_scoped3A : memref<!tpu.dma_semaphore, #tpu.memory_space<semaphore_mem>>) src(%arg12 : memref<40x128xf32, #tpu.memory_space<vmem>>) dst(%dma_wait3A_54 : memref<40x128xf32, #tpu.memory_space<vmem_shared>>)
      tpu.yield
    }) : () -> ()
    %add3A_26 = arith.constant 360 : i32
    %add3A_27 = arith.addi %mul3A_8, %add3A_26 : i32
    "tpu.region"() ({
      %run_scoped3A = tpu.sem_alloc : memref<!tpu.dma_semaphore, #tpu.memory_space<semaphore_mem>>
      %dma_start3A = arith.constant 0 : i32
      %dma_start3A_49 = tpu.memref_slice %arg7[%add3A_27, %dma_start3A] : memref<10240x128xf32, #tpu.memory_space<vmem_shared>> -> memref<40x128xf32, #tpu.memory_space<vmem_shared>>
      %dma_start3A_50 = arith.constant 0 : i32
      %dma_start3A_51 = tpu.memref_slice %arg7[%add3A_27, %dma_start3A_50] : memref<10240x128xf32, #tpu.memory_space<vmem_shared>> -> memref<40x128xf32, #tpu.memory_space<vmem_shared>>
      tpu.enqueue_dma source(%arg12 : memref<40x128xf32, #tpu.memory_space<vmem>>) target(%dma_start3A_51 : memref<40x128xf32, #tpu.memory_space<vmem_shared>>) target_semaphore(%run_scoped3A : memref<!tpu.dma_semaphore, #tpu.memory_space<semaphore_mem>>)
      %dma_wait3A = arith.constant 0 : i32
      %dma_wait3A_52 = tpu.memref_slice %arg7[%add3A_27, %dma_wait3A] : memref<10240x128xf32, #tpu.memory_space<vmem_shared>> -> memref<40x128xf32, #tpu.memory_space<vmem_shared>>
      %dma_wait3A_53 = arith.constant 0 : i32
      %dma_wait3A_54 = tpu.memref_slice %arg7[%add3A_27, %dma_wait3A_53] : memref<10240x128xf32, #tpu.memory_space<vmem_shared>> -> memref<40x128xf32, #tpu.memory_space<vmem_shared>>
      tpu.wait_dma2 semaphore(%run_scoped3A : memref<!tpu.dma_semaphore, #tpu.memory_space<semaphore_mem>>) src(%arg12 : memref<40x128xf32, #tpu.memory_space<vmem>>) dst(%dma_wait3A_54 : memref<40x128xf32, #tpu.memory_space<vmem_shared>>)
      tpu.yield
    }) : () -> ()
    %add3A_28 = arith.constant 400 : i32
    %add3A_29 = arith.addi %mul3A_8, %add3A_28 : i32
    "tpu.region"() ({
      %run_scoped3A = tpu.sem_alloc : memref<!tpu.dma_semaphore, #tpu.memory_space<semaphore_mem>>
      %dma_start3A = arith.constant 0 : i32
      %dma_start3A_49 = tpu.memref_slice %arg7[%add3A_29, %dma_start3A] : memref<10240x128xf32, #tpu.memory_space<vmem_shared>> -> memref<40x128xf32, #tpu.memory_space<vmem_shared>>
      %dma_start3A_50 = arith.constant 0 : i32
      %dma_start3A_51 = tpu.memref_slice %arg7[%add3A_29, %dma_start3A_50] : memref<10240x128xf32, #tpu.memory_space<vmem_shared>> -> memref<40x128xf32, #tpu.memory_space<vmem_shared>>
      tpu.enqueue_dma source(%arg12 : memref<40x128xf32, #tpu.memory_space<vmem>>) target(%dma_start3A_51 : memref<40x128xf32, #tpu.memory_space<vmem_shared>>) target_semaphore(%run_scoped3A : memref<!tpu.dma_semaphore, #tpu.memory_space<semaphore_mem>>)
      %dma_wait3A = arith.constant 0 : i32
      %dma_wait3A_52 = tpu.memref_slice %arg7[%add3A_29, %dma_wait3A] : memref<10240x128xf32, #tpu.memory_space<vmem_shared>> -> memref<40x128xf32, #tpu.memory_space<vmem_shared>>
      %dma_wait3A_53 = arith.constant 0 : i32
      %dma_wait3A_54 = tpu.memref_slice %arg7[%add3A_29, %dma_wait3A_53] : memref<10240x128xf32, #tpu.memory_space<vmem_shared>> -> memref<40x128xf32, #tpu.memory_space<vmem_shared>>
      tpu.wait_dma2 semaphore(%run_scoped3A : memref<!tpu.dma_semaphore, #tpu.memory_space<semaphore_mem>>) src(%arg12 : memref<40x128xf32, #tpu.memory_space<vmem>>) dst(%dma_wait3A_54 : memref<40x128xf32, #tpu.memory_space<vmem_shared>>)
      tpu.yield
    }) : () -> ()
    %add3A_30 = arith.constant 440 : i32
    %add3A_31 = arith.addi %mul3A_8, %add3A_30 : i32
    "tpu.region"() ({
      %run_scoped3A = tpu.sem_alloc : memref<!tpu.dma_semaphore, #tpu.memory_space<semaphore_mem>>
      %dma_start3A = arith.constant 0 : i32
      %dma_start3A_49 = tpu.memref_slice %arg7[%add3A_31, %dma_start3A] : memref<10240x128xf32, #tpu.memory_space<vmem_shared>> -> memref<40x128xf32, #tpu.memory_space<vmem_shared>>
      %dma_start3A_50 = arith.constant 0 : i32
      %dma_start3A_51 = tpu.memref_slice %arg7[%add3A_31, %dma_start3A_50] : memref<10240x128xf32, #tpu.memory_space<vmem_shared>> -> memref<40x128xf32, #tpu.memory_space<vmem_shared>>
      tpu.enqueue_dma source(%arg12 : memref<40x128xf32, #tpu.memory_space<vmem>>) target(%dma_start3A_51 : memref<40x128xf32, #tpu.memory_space<vmem_shared>>) target_semaphore(%run_scoped3A : memref<!tpu.dma_semaphore, #tpu.memory_space<semaphore_mem>>)
      %dma_wait3A = arith.constant 0 : i32
      %dma_wait3A_52 = tpu.memref_slice %arg7[%add3A_31, %dma_wait3A] : memref<10240x128xf32, #tpu.memory_space<vmem_shared>> -> memref<40x128xf32, #tpu.memory_space<vmem_shared>>
      %dma_wait3A_53 = arith.constant 0 : i32
      %dma_wait3A_54 = tpu.memref_slice %arg7[%add3A_31, %dma_wait3A_53] : memref<10240x128xf32, #tpu.memory_space<vmem_shared>> -> memref<40x128xf32, #tpu.memory_space<vmem_shared>>
      tpu.wait_dma2 semaphore(%run_scoped3A : memref<!tpu.dma_semaphore, #tpu.memory_space<semaphore_mem>>) src(%arg12 : memref<40x128xf32, #tpu.memory_space<vmem>>) dst(%dma_wait3A_54 : memref<40x128xf32, #tpu.memory_space<vmem_shared>>)
      tpu.yield
    }) : () -> ()
    %add3A_32 = arith.constant 480 : i32
    %add3A_33 = arith.addi %mul3A_8, %add3A_32 : i32
    "tpu.region"() ({
      %run_scoped3A = tpu.sem_alloc : memref<!tpu.dma_semaphore, #tpu.memory_space<semaphore_mem>>
      %dma_start3A = arith.constant 0 : i32
      %dma_start3A_49 = tpu.memref_slice %arg7[%add3A_33, %dma_start3A] : memref<10240x128xf32, #tpu.memory_space<vmem_shared>> -> memref<40x128xf32, #tpu.memory_space<vmem_shared>>
      %dma_start3A_50 = arith.constant 0 : i32
      %dma_start3A_51 = tpu.memref_slice %arg7[%add3A_33, %dma_start3A_50] : memref<10240x128xf32, #tpu.memory_space<vmem_shared>> -> memref<40x128xf32, #tpu.memory_space<vmem_shared>>
      tpu.enqueue_dma source(%arg12 : memref<40x128xf32, #tpu.memory_space<vmem>>) target(%dma_start3A_51 : memref<40x128xf32, #tpu.memory_space<vmem_shared>>) target_semaphore(%run_scoped3A : memref<!tpu.dma_semaphore, #tpu.memory_space<semaphore_mem>>)
      %dma_wait3A = arith.constant 0 : i32
      %dma_wait3A_52 = tpu.memref_slice %arg7[%add3A_33, %dma_wait3A] : memref<10240x128xf32, #tpu.memory_space<vmem_shared>> -> memref<40x128xf32, #tpu.memory_space<vmem_shared>>
      %dma_wait3A_53 = arith.constant 0 : i32
      %dma_wait3A_54 = tpu.memref_slice %arg7[%add3A_33, %dma_wait3A_53] : memref<10240x128xf32, #tpu.memory_space<vmem_shared>> -> memref<40x128xf32, #tpu.memory_space<vmem_shared>>
      tpu.wait_dma2 semaphore(%run_scoped3A : memref<!tpu.dma_semaphore, #tpu.memory_space<semaphore_mem>>) src(%arg12 : memref<40x128xf32, #tpu.memory_space<vmem>>) dst(%dma_wait3A_54 : memref<40x128xf32, #tpu.memory_space<vmem_shared>>)
      tpu.yield
    }) : () -> ()
    %add3A_34 = arith.constant 520 : i32
    %add3A_35 = arith.addi %mul3A_8, %add3A_34 : i32
    "tpu.region"() ({
      %run_scoped3A = tpu.sem_alloc : memref<!tpu.dma_semaphore, #tpu.memory_space<semaphore_mem>>
      %dma_start3A = arith.constant 0 : i32
      %dma_start3A_49 = tpu.memref_slice %arg7[%add3A_35, %dma_start3A] : memref<10240x128xf32, #tpu.memory_space<vmem_shared>> -> memref<40x128xf32, #tpu.memory_space<vmem_shared>>
      %dma_start3A_50 = arith.constant 0 : i32
      %dma_start3A_51 = tpu.memref_slice %arg7[%add3A_35, %dma_start3A_50] : memref<10240x128xf32, #tpu.memory_space<vmem_shared>> -> memref<40x128xf32, #tpu.memory_space<vmem_shared>>
      tpu.enqueue_dma source(%arg12 : memref<40x128xf32, #tpu.memory_space<vmem>>) target(%dma_start3A_51 : memref<40x128xf32, #tpu.memory_space<vmem_shared>>) target_semaphore(%run_scoped3A : memref<!tpu.dma_semaphore, #tpu.memory_space<semaphore_mem>>)
      %dma_wait3A = arith.constant 0 : i32
      %dma_wait3A_52 = tpu.memref_slice %arg7[%add3A_35, %dma_wait3A] : memref<10240x128xf32, #tpu.memory_space<vmem_shared>> -> memref<40x128xf32, #tpu.memory_space<vmem_shared>>
      %dma_wait3A_53 = arith.constant 0 : i32
      %dma_wait3A_54 = tpu.memref_slice %arg7[%add3A_35, %dma_wait3A_53] : memref<10240x128xf32, #tpu.memory_space<vmem_shared>> -> memref<40x128xf32, #tpu.memory_space<vmem_shared>>
      tpu.wait_dma2 semaphore(%run_scoped3A : memref<!tpu.dma_semaphore, #tpu.memory_space<semaphore_mem>>) src(%arg12 : memref<40x128xf32, #tpu.memory_space<vmem>>) dst(%dma_wait3A_54 : memref<40x128xf32, #tpu.memory_space<vmem_shared>>)
      tpu.yield
    }) : () -> ()
    %add3A_36 = arith.constant 560 : i32
    %add3A_37 = arith.addi %mul3A_8, %add3A_36 : i32
    "tpu.region"() ({
      %run_scoped3A = tpu.sem_alloc : memref<!tpu.dma_semaphore, #tpu.memory_space<semaphore_mem>>
      %dma_start3A = arith.constant 0 : i32
      %dma_start3A_49 = tpu.memref_slice %arg7[%add3A_37, %dma_start3A] : memref<10240x128xf32, #tpu.memory_space<vmem_shared>> -> memref<40x128xf32, #tpu.memory_space<vmem_shared>>
      %dma_start3A_50 = arith.constant 0 : i32
      %dma_start3A_51 = tpu.memref_slice %arg7[%add3A_37, %dma_start3A_50] : memref<10240x128xf32, #tpu.memory_space<vmem_shared>> -> memref<40x128xf32, #tpu.memory_space<vmem_shared>>
      tpu.enqueue_dma source(%arg12 : memref<40x128xf32, #tpu.memory_space<vmem>>) target(%dma_start3A_51 : memref<40x128xf32, #tpu.memory_space<vmem_shared>>) target_semaphore(%run_scoped3A : memref<!tpu.dma_semaphore, #tpu.memory_space<semaphore_mem>>)
      %dma_wait3A = arith.constant 0 : i32
      %dma_wait3A_52 = tpu.memref_slice %arg7[%add3A_37, %dma_wait3A] : memref<10240x128xf32, #tpu.memory_space<vmem_shared>> -> memref<40x128xf32, #tpu.memory_space<vmem_shared>>
      %dma_wait3A_53 = arith.constant 0 : i32
      %dma_wait3A_54 = tpu.memref_slice %arg7[%add3A_37, %dma_wait3A_53] : memref<10240x128xf32, #tpu.memory_space<vmem_shared>> -> memref<40x128xf32, #tpu.memory_space<vmem_shared>>
      tpu.wait_dma2 semaphore(%run_scoped3A : memref<!tpu.dma_semaphore, #tpu.memory_space<semaphore_mem>>) src(%arg12 : memref<40x128xf32, #tpu.memory_space<vmem>>) dst(%dma_wait3A_54 : memref<40x128xf32, #tpu.memory_space<vmem_shared>>)
      tpu.yield
    }) : () -> ()
    %add3A_38 = arith.constant 600 : i32
    %add3A_39 = arith.addi %mul3A_8, %add3A_38 : i32
    "tpu.region"() ({
      %run_scoped3A = tpu.sem_alloc : memref<!tpu.dma_semaphore, #tpu.memory_space<semaphore_mem>>
      %dma_start3A = arith.constant 0 : i32
      %dma_start3A_49 = tpu.memref_slice %arg7[%add3A_39, %dma_start3A] : memref<10240x128xf32, #tpu.memory_space<vmem_shared>> -> memref<40x128xf32, #tpu.memory_space<vmem_shared>>
      %dma_start3A_50 = arith.constant 0 : i32
      %dma_start3A_51 = tpu.memref_slice %arg7[%add3A_39, %dma_start3A_50] : memref<10240x128xf32, #tpu.memory_space<vmem_shared>> -> memref<40x128xf32, #tpu.memory_space<vmem_shared>>
      tpu.enqueue_dma source(%arg12 : memref<40x128xf32, #tpu.memory_space<vmem>>) target(%dma_start3A_51 : memref<40x128xf32, #tpu.memory_space<vmem_shared>>) target_semaphore(%run_scoped3A : memref<!tpu.dma_semaphore, #tpu.memory_space<semaphore_mem>>)
      %dma_wait3A = arith.constant 0 : i32
      %dma_wait3A_52 = tpu.memref_slice %arg7[%add3A_39, %dma_wait3A] : memref<10240x128xf32, #tpu.memory_space<vmem_shared>> -> memref<40x128xf32, #tpu.memory_space<vmem_shared>>
      %dma_wait3A_53 = arith.constant 0 : i32
      %dma_wait3A_54 = tpu.memref_slice %arg7[%add3A_39, %dma_wait3A_53] : memref<10240x128xf32, #tpu.memory_space<vmem_shared>> -> memref<40x128xf32, #tpu.memory_space<vmem_shared>>
      tpu.wait_dma2 semaphore(%run_scoped3A : memref<!tpu.dma_semaphore, #tpu.memory_space<semaphore_mem>>) src(%arg12 : memref<40x128xf32, #tpu.memory_space<vmem>>) dst(%dma_wait3A_54 : memref<40x128xf32, #tpu.memory_space<vmem_shared>>)
      tpu.yield
    }) : () -> ()
    %barrier3A = arith.constant 0 : index
    tpu.barrier barrier_id(%barrier3A)
    %mul3A_40 = arith.constant 64 : i32
    %mul3A_41 = arith.muli %arg0, %mul3A_40 : i32
    %scan3A_42 = arith.constant 0 : i32
    %scan3A_43 = arith.constant 0 : i32
    %scan3A_44 = arith.constant 10 : i32
    %scan3A_45 = arith.addi %scan3A_43, %scan3A_44 : i32
    %scan3A_46 = arith.constant 1 : i32
    scf.for %scan3A_49 = %scan3A_43 to %scan3A_45 step %scan3A_46  : i32 {
      "tpu.region"() ({
        %run_scoped3A = tpu.sem_alloc : memref<!tpu.dma_semaphore, #tpu.memory_space<semaphore_mem>>
        %dma_start3A_75 = arith.constant 0 : i32
        %dma_start3A_76 = arith.constant 0 : i32
        %dma_start3A_77 = tpu.memref_slice %arg3[%arg1, %scan3A_49, %dma_start3A_75, %dma_start3A_76] : memref<16x10x50x40xi32, #tpu.memory_space<hbm>> -> memref<1x1x50x40xi32, #tpu.memory_space<hbm>>
        %dma_start3A_78 = tpu.memref_squeeze %dma_start3A_77 : memref<1x1x50x40xi32, #tpu.memory_space<hbm>> -> memref<50x40xi32, #tpu.memory_space<hbm>>
        %dma_start3A_79 = arith.constant 0 : i32
        %dma_start3A_80 = arith.constant 0 : i32
        %dma_start3A_81 = tpu.memref_slice %arg3[%arg1, %scan3A_49, %dma_start3A_79, %dma_start3A_80] : memref<16x10x50x40xi32, #tpu.memory_space<hbm>> -> memref<1x1x50x40xi32, #tpu.memory_space<hbm>>
        %dma_start3A_82 = tpu.memref_squeeze %dma_start3A_81 : memref<1x1x50x40xi32, #tpu.memory_space<hbm>> -> memref<50x40xi32, #tpu.memory_space<hbm>>
        tpu.enqueue_dma source(%dma_start3A_82 : memref<50x40xi32, #tpu.memory_space<hbm>>) target(%arg8 : memref<50x40xi32, #tpu.memory_space<vmem>>) target_semaphore(%run_scoped3A : memref<!tpu.dma_semaphore, #tpu.memory_space<semaphore_mem>>)
        %dma_wait3A_83 = arith.constant 0 : i32
        %dma_wait3A_84 = arith.constant 0 : i32
        %dma_wait3A_85 = tpu.memref_slice %arg3[%arg1, %scan3A_49, %dma_wait3A_83, %dma_wait3A_84] : memref<16x10x50x40xi32, #tpu.memory_space<hbm>> -> memref<1x1x50x40xi32, #tpu.memory_space<hbm>>
        %dma_wait3A_86 = tpu.memref_squeeze %dma_wait3A_85 : memref<1x1x50x40xi32, #tpu.memory_space<hbm>> -> memref<50x40xi32, #tpu.memory_space<hbm>>
        %dma_wait3A_87 = arith.constant 0 : i32
        %dma_wait3A_88 = arith.constant 0 : i32
        %dma_wait3A_89 = tpu.memref_slice %arg3[%arg1, %scan3A_49, %dma_wait3A_87, %dma_wait3A_88] : memref<16x10x50x40xi32, #tpu.memory_space<hbm>> -> memref<1x1x50x40xi32, #tpu.memory_space<hbm>>
        %dma_wait3A_90 = tpu.memref_squeeze %dma_wait3A_89 : memref<1x1x50x40xi32, #tpu.memory_space<hbm>> -> memref<50x40xi32, #tpu.memory_space<hbm>>
        tpu.wait_dma2 semaphore(%run_scoped3A : memref<!tpu.dma_semaphore, #tpu.memory_space<semaphore_mem>>) src(%dma_wait3A_90 : memref<50x40xi32, #tpu.memory_space<hbm>>) dst(%arg8 : memref<50x40xi32, #tpu.memory_space<vmem>>)
        tpu.yield
      }) : () -> ()
      "tpu.region"() ({
        %run_scoped3A = tpu.sem_alloc : memref<!tpu.dma_semaphore, #tpu.memory_space<semaphore_mem>>
        %dma_start3A_75 = arith.constant 0 : i32
        %dma_start3A_76 = arith.constant 0 : i32
        %dma_start3A_77 = tpu.memref_slice %arg4[%arg1, %scan3A_49, %dma_start3A_75, %dma_start3A_76] : memref<16x10x50x40xi32, #tpu.memory_space<hbm>> -> memref<1x1x50x40xi32, #tpu.memory_space<hbm>>
        %dma_start3A_78 = tpu.memref_squeeze %dma_start3A_77 : memref<1x1x50x40xi32, #tpu.memory_space<hbm>> -> memref<50x40xi32, #tpu.memory_space<hbm>>
        %dma_start3A_79 = arith.constant 0 : i32
        %dma_start3A_80 = arith.constant 0 : i32
        %dma_start3A_81 = tpu.memref_slice %arg4[%arg1, %scan3A_49, %dma_start3A_79, %dma_start3A_80] : memref<16x10x50x40xi32, #tpu.memory_space<hbm>> -> memref<1x1x50x40xi32, #tpu.memory_space<hbm>>
        %dma_start3A_82 = tpu.memref_squeeze %dma_start3A_81 : memref<1x1x50x40xi32, #tpu.memory_space<hbm>> -> memref<50x40xi32, #tpu.memory_space<hbm>>
        tpu.enqueue_dma source(%dma_start3A_82 : memref<50x40xi32, #tpu.memory_space<hbm>>) target(%arg9 : memref<50x40xi32, #tpu.memory_space<vmem>>) target_semaphore(%run_scoped3A : memref<!tpu.dma_semaphore, #tpu.memory_space<semaphore_mem>>)
        %dma_wait3A_83 = arith.constant 0 : i32
        %dma_wait3A_84 = arith.constant 0 : i32
        %dma_wait3A_85 = tpu.memref_slice %arg4[%arg1, %scan3A_49, %dma_wait3A_83, %dma_wait3A_84] : memref<16x10x50x40xi32, #tpu.memory_space<hbm>> -> memref<1x1x50x40xi32, #tpu.memory_space<hbm>>
        %dma_wait3A_86 = tpu.memref_squeeze %dma_wait3A_85 : memref<1x1x50x40xi32, #tpu.memory_space<hbm>> -> memref<50x40xi32, #tpu.memory_space<hbm>>
        %dma_wait3A_87 = arith.constant 0 : i32
        %dma_wait3A_88 = arith.constant 0 : i32
        %dma_wait3A_89 = tpu.memref_slice %arg4[%arg1, %scan3A_49, %dma_wait3A_87, %dma_wait3A_88] : memref<16x10x50x40xi32, #tpu.memory_space<hbm>> -> memref<1x1x50x40xi32, #tpu.memory_space<hbm>>
        %dma_wait3A_90 = tpu.memref_squeeze %dma_wait3A_89 : memref<1x1x50x40xi32, #tpu.memory_space<hbm>> -> memref<50x40xi32, #tpu.memory_space<hbm>>
        tpu.wait_dma2 semaphore(%run_scoped3A : memref<!tpu.dma_semaphore, #tpu.memory_space<semaphore_mem>>) src(%dma_wait3A_90 : memref<50x40xi32, #tpu.memory_space<hbm>>) dst(%arg9 : memref<50x40xi32, #tpu.memory_space<vmem>>)
        tpu.yield
      }) : () -> ()
      %dma_start3A = arith.constant 0 : i32
      %dma_start3A_50 = arith.constant 0 : i32
      %dma_start3A_51 = tpu.memref_slice %arg8[%dma_start3A, %dma_start3A_50] : memref<50x40xi32, #tpu.memory_space<vmem>> -> memref<1x40xi32, #tpu.memory_space<vmem>>
      %dma_start3A_52 = tpu.memref_squeeze %dma_start3A_51 : memref<1x40xi32, #tpu.memory_space<vmem>> -> memref<40xi32, #tpu.memory_space<vmem>>
      %dma_start3A_53 = arith.constant 0 : i32
      %dma_start3A_54 = arith.constant 0 : i32
      %dma_start3A_55 = tpu.memref_slice %arg2[%dma_start3A_53, %dma_start3A_54] : memref<10000x128xf32, #tpu.memory_space<hbm>> -> memref<10000x128xf32, #tpu.memory_space<hbm>>
      tpu.enqueue_indirect_dma source(%dma_start3A_55 : memref<10000x128xf32, #tpu.memory_space<hbm>>) target(%arg10 : memref<40x128xf32, #tpu.memory_space<vmem>>) offsets(%dma_start3A_52 : memref<40xi32, #tpu.memory_space<vmem>>) semaphore(%arg15 : memref<!tpu.dma_semaphore, #tpu.memory_space<semaphore_mem>>)
      %scan3A_56 = arith.constant 0 : i32
      %scan3A_57 = arith.constant 0 : i32
      %scan3A_58 = arith.constant 25 : i32
      %scan3A_59 = arith.addi %scan3A_57, %scan3A_58 : i32
      %scan3A_60 = arith.constant 1 : i32
      scf.for %scan3A_75 = %scan3A_57 to %scan3A_59 step %scan3A_60  : i32 {
        %mul3A_76 = arith.constant 2 : i32
        %mul3A_77 = arith.muli %mul3A_76, %scan3A_75 : i32
        %add3A_78 = arith.constant 0 : i32
        %add3A_79 = arith.addi %mul3A_77, %add3A_78 : i32
        %add3A_80 = arith.constant 1 : i32
        %add3A_81 = arith.addi %add3A_79, %add3A_80 : i32
        %lt3A = arith.constant 50 : i32
        %lt3A_82 = arith.cmpi slt, %add3A_81, %lt3A : i32
        %convert_element_type3A = arith.extui %lt3A_82 : i1 to i32
        %cond3A = arith.constant 0 : i32
        %cond3A_83 = arith.cmpi ne, %convert_element_type3A, %cond3A : i32
        scf.if %cond3A_83 {
          %add3A_133 = arith.constant 1 : i32
          %add3A_134 = arith.addi %add3A_79, %add3A_133 : i32
          %dma_start3A_135 = arith.constant 0 : i32
          %dma_start3A_136 = tpu.memref_slice %arg8[%add3A_134, %dma_start3A_135] : memref<50x40xi32, #tpu.memory_space<vmem>> -> memref<1x40xi32, #tpu.memory_space<vmem>>
          %dma_start3A_137 = tpu.memref_squeeze %dma_start3A_136 : memref<1x40xi32, #tpu.memory_space<vmem>> -> memref<40xi32, #tpu.memory_space<vmem>>
          %dma_start3A_138 = arith.constant 0 : i32
          %dma_start3A_139 = arith.constant 0 : i32
          %dma_start3A_140 = tpu.memref_slice %arg2[%dma_start3A_138, %dma_start3A_139] : memref<10000x128xf32, #tpu.memory_space<hbm>> -> memref<10000x128xf32, #tpu.memory_space<hbm>>
          tpu.enqueue_indirect_dma source(%dma_start3A_140 : memref<10000x128xf32, #tpu.memory_space<hbm>>) target(%arg11 : memref<40x128xf32, #tpu.memory_space<vmem>>) offsets(%dma_start3A_137 : memref<40xi32, #tpu.memory_space<vmem>>) semaphore(%arg16 : memref<!tpu.dma_semaphore, #tpu.memory_space<semaphore_mem>>)
        } else {
        }
        %dma_wait3A_84 = arith.constant 0 : i32
        %dma_wait3A_85 = tpu.memref_slice %arg8[%add3A_79, %dma_wait3A_84] : memref<50x40xi32, #tpu.memory_space<vmem>> -> memref<1x40xi32, #tpu.memory_space<vmem>>
        %dma_wait3A_86 = tpu.memref_squeeze %dma_wait3A_85 : memref<1x40xi32, #tpu.memory_space<vmem>> -> memref<40xi32, #tpu.memory_space<vmem>>
        %dma_wait3A_87 = arith.constant 0 : i32
        %dma_wait3A_88 = arith.constant 0 : i32
        %dma_wait3A_89 = tpu.memref_slice %arg2[%dma_wait3A_87, %dma_wait3A_88] : memref<10000x128xf32, #tpu.memory_space<hbm>> -> memref<10000x128xf32, #tpu.memory_space<hbm>>
        tpu.wait_indirect_dma semaphore(%arg15 : memref<!tpu.dma_semaphore, #tpu.memory_space<semaphore_mem>>) src(%dma_wait3A_89 : memref<10000x128xf32, #tpu.memory_space<hbm>>) dst(%arg10 : memref<40x128xf32, #tpu.memory_space<vmem>>)
        %ge3A = arith.constant 2 : i32
        %ge3A_90 = arith.cmpi sge, %add3A_79, %ge3A : i32
        %convert_element_type3A_91 = arith.extui %ge3A_90 : i1 to i32
        %cond3A_92 = arith.constant 0 : i32
        %cond3A_93 = arith.cmpi ne, %convert_element_type3A_91, %cond3A_92 : i32
        scf.if %cond3A_93 {
          %dma_wait3A_133 = arith.constant 0 : i32
          %dma_wait3A_134 = tpu.memref_slice %arg9[%add3A_79, %dma_wait3A_133] : memref<50x40xi32, #tpu.memory_space<vmem>> -> memref<1x40xi32, #tpu.memory_space<vmem>>
          %dma_wait3A_135 = tpu.memref_squeeze %dma_wait3A_134 : memref<1x40xi32, #tpu.memory_space<vmem>> -> memref<40xi32, #tpu.memory_space<vmem>>
          %dma_wait3A_136 = arith.constant 0 : i32
          %dma_wait3A_137 = arith.constant 0 : i32
          %dma_wait3A_138 = tpu.memref_slice %arg7[%dma_wait3A_136, %dma_wait3A_137] : memref<10240x128xf32, #tpu.memory_space<vmem_shared>> -> memref<10240x128xf32, #tpu.memory_space<vmem_shared>>
          tpu.wait_indirect_dma semaphore(%arg17 : memref<!tpu.dma_semaphore, #tpu.memory_space<semaphore_mem>>) src(%arg12 : memref<40x128xf32, #tpu.memory_space<vmem>>) dst(%dma_wait3A_138 : memref<10240x128xf32, #tpu.memory_space<vmem_shared>>)
        } else {
        }
        %parallel_loop3A = arith.constant 0 : i32
        %parallel_loop3A_94 = arith.constant 40 : i32
        %parallel_loop3A_95 = arith.constant 1 : i32
        scf.for %parallel_loop3A_133 = %parallel_loop3A to %parallel_loop3A_94 step %parallel_loop3A_95  : i32 {
          %parallel_loop3A_134 = arith.constant 0 : i32
          %parallel_loop3A_135 = arith.addi %mul3A_41, %parallel_loop3A_134 : i32
          %parallel_loop3A_136 = arith.index_cast %parallel_loop3A_133 : i32 to index
          %parallel_loop3A_137 = arith.index_cast %parallel_loop3A_135 : i32 to index
          %parallel_loop3A_138 = tpu.vector_load %arg10[%parallel_loop3A_136, %parallel_loop3A_137] {strides = array<i32>} : memref<40x128xf32, #tpu.memory_space<vmem>>, vector<1x16xf32>,
          %parallel_loop3A_139 = vector.shape_cast %parallel_loop3A_138 : vector<1x16xf32> to vector<16xf32>
          %parallel_loop3A_140 = arith.constant 0.000000e+00 : f32
          %parallel_loop3A_141 = vector.broadcast %parallel_loop3A_140 : f32 to vector<16xf32>
          %parallel_loop3A_142 = arith.maximumf %parallel_loop3A_139, %parallel_loop3A_141 : vector<16xf32>
          %parallel_loop3A_143 = arith.constant 1.000000e-07 : f32
          %parallel_loop3A_144 = vector.broadcast %parallel_loop3A_143 : f32 to vector<16xf32>
          %parallel_loop3A_145 = arith.addf %parallel_loop3A_142, %parallel_loop3A_144 : vector<16xf32>
          %parallel_loop3A_146 = arith.mulf %parallel_loop3A_145, %get3A_1 : vector<16xf32>
          %parallel_loop3A_147 = math.exp %parallel_loop3A_146 : vector<16xf32>
          %parallel_loop3A_148 = arith.index_cast %parallel_loop3A_133 : i32 to index
          %parallel_loop3A_149 = arith.constant 0 : index
          %parallel_loop3A_150 = tpu.vector_load %arg12[%parallel_loop3A_148, %parallel_loop3A_149] {strides = array<i32>} : memref<40x128xf32, #tpu.memory_space<vmem>>, vector<1x16xf32>,
          %parallel_loop3A_151 = vector.shape_cast %parallel_loop3A_150 : vector<1x16xf32> to vector<16xf32>
          %parallel_loop3A_152 = vector.shape_cast %parallel_loop3A_147 : vector<16xf32> to vector<1x16xf32>
          tpu.vector_store %arg12[%parallel_loop3A_148, %parallel_loop3A_149], %parallel_loop3A_152 {strides = array<i32>} : memref<40x128xf32, #tpu.memory_space<vmem>>, vector<1x16xf32>,
          %parallel_loop3A_153 = arith.mulf %parallel_loop3A_145, %parallel_loop3A_147 : vector<16xf32>
          %parallel_loop3A_154 = arith.index_cast %parallel_loop3A_133 : i32 to index
          %parallel_loop3A_155 = arith.constant 64 : index
          %parallel_loop3A_156 = tpu.vector_load %arg12[%parallel_loop3A_154, %parallel_loop3A_155] {strides = array<i32>} : memref<40x128xf32, #tpu.memory_space<vmem>>, vector<1x16xf32>,
          %parallel_loop3A_157 = vector.shape_cast %parallel_loop3A_156 : vector<1x16xf32> to vector<16xf32>
          %parallel_loop3A_158 = vector.shape_cast %parallel_loop3A_153 : vector<16xf32> to vector<1x16xf32>
          tpu.vector_store %arg12[%parallel_loop3A_154, %parallel_loop3A_155], %parallel_loop3A_158 {strides = array<i32>} : memref<40x128xf32, #tpu.memory_space<vmem>>, vector<1x16xf32>,
          %parallel_loop3A_159 = arith.constant 16 : i32
          %parallel_loop3A_160 = arith.addi %mul3A_41, %parallel_loop3A_159 : i32
          %parallel_loop3A_161 = arith.index_cast %parallel_loop3A_133 : i32 to index
          %parallel_loop3A_162 = arith.index_cast %parallel_loop3A_160 : i32 to index
          %parallel_loop3A_163 = tpu.vector_load %arg10[%parallel_loop3A_161, %parallel_loop3A_162] {strides = array<i32>} : memref<40x128xf32, #tpu.memory_space<vmem>>, vector<1x16xf32>,
          %parallel_loop3A_164 = vector.shape_cast %parallel_loop3A_163 : vector<1x16xf32> to vector<16xf32>
          %parallel_loop3A_165 = arith.constant 0.000000e+00 : f32
          %parallel_loop3A_166 = vector.broadcast %parallel_loop3A_165 : f32 to vector<16xf32>
          %parallel_loop3A_167 = arith.maximumf %parallel_loop3A_164, %parallel_loop3A_166 : vector<16xf32>
          %parallel_loop3A_168 = arith.constant 1.000000e-07 : f32
          %parallel_loop3A_169 = vector.broadcast %parallel_loop3A_168 : f32 to vector<16xf32>
          %parallel_loop3A_170 = arith.addf %parallel_loop3A_167, %parallel_loop3A_169 : vector<16xf32>
          %parallel_loop3A_171 = arith.mulf %parallel_loop3A_170, %get3A_1 : vector<16xf32>
          %parallel_loop3A_172 = math.exp %parallel_loop3A_171 : vector<16xf32>
          %parallel_loop3A_173 = arith.index_cast %parallel_loop3A_133 : i32 to index
          %parallel_loop3A_174 = arith.constant 16 : index
          %parallel_loop3A_175 = tpu.vector_load %arg12[%parallel_loop3A_173, %parallel_loop3A_174] {strides = array<i32>} : memref<40x128xf32, #tpu.memory_space<vmem>>, vector<1x16xf32>,
          %parallel_loop3A_176 = vector.shape_cast %parallel_loop3A_175 : vector<1x16xf32> to vector<16xf32>
          %parallel_loop3A_177 = vector.shape_cast %parallel_loop3A_172 : vector<16xf32> to vector<1x16xf32>
          tpu.vector_store %arg12[%parallel_loop3A_173, %parallel_loop3A_174], %parallel_loop3A_177 {strides = array<i32>} : memref<40x128xf32, #tpu.memory_space<vmem>>, vector<1x16xf32>,
          %parallel_loop3A_178 = arith.mulf %parallel_loop3A_170, %parallel_loop3A_172 : vector<16xf32>
          %parallel_loop3A_179 = arith.index_cast %parallel_loop3A_133 : i32 to index
          %parallel_loop3A_180 = arith.constant 80 : index
          %parallel_loop3A_181 = tpu.vector_load %arg12[%parallel_loop3A_179, %parallel_loop3A_180] {strides = array<i32>} : memref<40x128xf32, #tpu.memory_space<vmem>>, vector<1x16xf32>,
          %parallel_loop3A_182 = vector.shape_cast %parallel_loop3A_181 : vector<1x16xf32> to vector<16xf32>
          %parallel_loop3A_183 = vector.shape_cast %parallel_loop3A_178 : vector<16xf32> to vector<1x16xf32>
          tpu.vector_store %arg12[%parallel_loop3A_179, %parallel_loop3A_180], %parallel_loop3A_183 {strides = array<i32>} : memref<40x128xf32, #tpu.memory_space<vmem>>, vector<1x16xf32>,
          %parallel_loop3A_184 = arith.constant 32 : i32
          %parallel_loop3A_185 = arith.addi %mul3A_41, %parallel_loop3A_184 : i32
          %parallel_loop3A_186 = arith.index_cast %parallel_loop3A_133 : i32 to index
          %parallel_loop3A_187 = arith.index_cast %parallel_loop3A_185 : i32 to index
          %parallel_loop3A_188 = tpu.vector_load %arg10[%parallel_loop3A_186, %parallel_loop3A_187] {strides = array<i32>} : memref<40x128xf32, #tpu.memory_space<vmem>>, vector<1x16xf32>,
          %parallel_loop3A_189 = vector.shape_cast %parallel_loop3A_188 : vector<1x16xf32> to vector<16xf32>
          %parallel_loop3A_190 = arith.constant 0.000000e+00 : f32
          %parallel_loop3A_191 = vector.broadcast %parallel_loop3A_190 : f32 to vector<16xf32>
          %parallel_loop3A_192 = arith.maximumf %parallel_loop3A_189, %parallel_loop3A_191 : vector<16xf32>
          %parallel_loop3A_193 = arith.constant 1.000000e-07 : f32
          %parallel_loop3A_194 = vector.broadcast %parallel_loop3A_193 : f32 to vector<16xf32>
          %parallel_loop3A_195 = arith.addf %parallel_loop3A_192, %parallel_loop3A_194 : vector<16xf32>
          %parallel_loop3A_196 = arith.mulf %parallel_loop3A_195, %get3A_1 : vector<16xf32>
          %parallel_loop3A_197 = math.exp %parallel_loop3A_196 : vector<16xf32>
          %parallel_loop3A_198 = arith.index_cast %parallel_loop3A_133 : i32 to index
          %parallel_loop3A_199 = arith.constant 32 : index
          %parallel_loop3A_200 = tpu.vector_load %arg12[%parallel_loop3A_198, %parallel_loop3A_199] {strides = array<i32>} : memref<40x128xf32, #tpu.memory_space<vmem>>, vector<1x16xf32>,
          %parallel_loop3A_201 = vector.shape_cast %parallel_loop3A_200 : vector<1x16xf32> to vector<16xf32>
          %parallel_loop3A_202 = vector.shape_cast %parallel_loop3A_197 : vector<16xf32> to vector<1x16xf32>
          tpu.vector_store %arg12[%parallel_loop3A_198, %parallel_loop3A_199], %parallel_loop3A_202 {strides = array<i32>} : memref<40x128xf32, #tpu.memory_space<vmem>>, vector<1x16xf32>,
          %parallel_loop3A_203 = arith.mulf %parallel_loop3A_195, %parallel_loop3A_197 : vector<16xf32>
          %parallel_loop3A_204 = arith.index_cast %parallel_loop3A_133 : i32 to index
          %parallel_loop3A_205 = arith.constant 96 : index
          %parallel_loop3A_206 = tpu.vector_load %arg12[%parallel_loop3A_204, %parallel_loop3A_205] {strides = array<i32>} : memref<40x128xf32, #tpu.memory_space<vmem>>, vector<1x16xf32>,
          %parallel_loop3A_207 = vector.shape_cast %parallel_loop3A_206 : vector<1x16xf32> to vector<16xf32>
          %parallel_loop3A_208 = vector.shape_cast %parallel_loop3A_203 : vector<16xf32> to vector<1x16xf32>
          tpu.vector_store %arg12[%parallel_loop3A_204, %parallel_loop3A_205], %parallel_loop3A_208 {strides = array<i32>} : memref<40x128xf32, #tpu.memory_space<vmem>>, vector<1x16xf32>,
          %parallel_loop3A_209 = arith.constant 48 : i32
          %parallel_loop3A_210 = arith.addi %mul3A_41, %parallel_loop3A_209 : i32
          %parallel_loop3A_211 = arith.index_cast %parallel_loop3A_133 : i32 to index
          %parallel_loop3A_212 = arith.index_cast %parallel_loop3A_210 : i32 to index
          %parallel_loop3A_213 = tpu.vector_load %arg10[%parallel_loop3A_211, %parallel_loop3A_212] {strides = array<i32>} : memref<40x128xf32, #tpu.memory_space<vmem>>, vector<1x16xf32>,
          %parallel_loop3A_214 = vector.shape_cast %parallel_loop3A_213 : vector<1x16xf32> to vector<16xf32>
          %parallel_loop3A_215 = arith.constant 0.000000e+00 : f32
          %parallel_loop3A_216 = vector.broadcast %parallel_loop3A_215 : f32 to vector<16xf32>
          %parallel_loop3A_217 = arith.maximumf %parallel_loop3A_214, %parallel_loop3A_216 : vector<16xf32>
          %parallel_loop3A_218 = arith.constant 1.000000e-07 : f32
          %parallel_loop3A_219 = vector.broadcast %parallel_loop3A_218 : f32 to vector<16xf32>
          %parallel_loop3A_220 = arith.addf %parallel_loop3A_217, %parallel_loop3A_219 : vector<16xf32>
          %parallel_loop3A_221 = arith.mulf %parallel_loop3A_220, %get3A_1 : vector<16xf32>
          %parallel_loop3A_222 = math.exp %parallel_loop3A_221 : vector<16xf32>
          %parallel_loop3A_223 = arith.index_cast %parallel_loop3A_133 : i32 to index
          %parallel_loop3A_224 = arith.constant 48 : index
          %parallel_loop3A_225 = tpu.vector_load %arg12[%parallel_loop3A_223, %parallel_loop3A_224] {strides = array<i32>} : memref<40x128xf32, #tpu.memory_space<vmem>>, vector<1x16xf32>,
          %parallel_loop3A_226 = vector.shape_cast %parallel_loop3A_225 : vector<1x16xf32> to vector<16xf32>
          %parallel_loop3A_227 = vector.shape_cast %parallel_loop3A_222 : vector<16xf32> to vector<1x16xf32>
          tpu.vector_store %arg12[%parallel_loop3A_223, %parallel_loop3A_224], %parallel_loop3A_227 {strides = array<i32>} : memref<40x128xf32, #tpu.memory_space<vmem>>, vector<1x16xf32>,
          %parallel_loop3A_228 = arith.mulf %parallel_loop3A_220, %parallel_loop3A_222 : vector<16xf32>
          %parallel_loop3A_229 = arith.index_cast %parallel_loop3A_133 : i32 to index
          %parallel_loop3A_230 = arith.constant 112 : index
          %parallel_loop3A_231 = tpu.vector_load %arg12[%parallel_loop3A_229, %parallel_loop3A_230] {strides = array<i32>} : memref<40x128xf32, #tpu.memory_space<vmem>>, vector<1x16xf32>,
          %parallel_loop3A_232 = vector.shape_cast %parallel_loop3A_231 : vector<1x16xf32> to vector<16xf32>
          %parallel_loop3A_233 = vector.shape_cast %parallel_loop3A_228 : vector<16xf32> to vector<1x16xf32>
          tpu.vector_store %arg12[%parallel_loop3A_229, %parallel_loop3A_230], %parallel_loop3A_233 {strides = array<i32>} : memref<40x128xf32, #tpu.memory_space<vmem>>, vector<1x16xf32>,
        } {sc.loop_unroll_factor = 4 : i64, sc.parallel_access}
        %dma_start3A_96 = arith.constant 0 : i32
        %dma_start3A_97 = tpu.memref_slice %arg9[%add3A_79, %dma_start3A_96] : memref<50x40xi32, #tpu.memory_space<vmem>> -> memref<1x40xi32, #tpu.memory_space<vmem>>
        %dma_start3A_98 = tpu.memref_squeeze %dma_start3A_97 : memref<1x40xi32, #tpu.memory_space<vmem>> -> memref<40xi32, #tpu.memory_space<vmem>>
        %dma_start3A_99 = arith.constant 0 : i32
        %dma_start3A_100 = arith.constant 0 : i32
        %dma_start3A_101 = tpu.memref_slice %arg7[%dma_start3A_99, %dma_start3A_100] : memref<10240x128xf32, #tpu.memory_space<vmem_shared>> -> memref<10240x128xf32, #tpu.memory_space<vmem_shared>>
        tpu.enqueue_indirect_dma source(%arg12 : memref<40x128xf32, #tpu.memory_space<vmem>>) target(%dma_start3A_101 : memref<10240x128xf32, #tpu.memory_space<vmem_shared>>) offsets(%dma_start3A_98 : memref<40xi32, #tpu.memory_space<vmem>>) semaphore(%arg17 : memref<!tpu.dma_semaphore, #tpu.memory_space<semaphore_mem>>) {add = true}
        %mul3A_102 = arith.constant 2 : i32
        %mul3A_103 = arith.muli %mul3A_102, %scan3A_75 : i32
        %add3A_104 = arith.constant 1 : i32
        %add3A_105 = arith.addi %mul3A_103, %add3A_104 : i32
        %add3A_106 = arith.constant 1 : i32
        %add3A_107 = arith.addi %add3A_105, %add3A_106 : i32
        %lt3A_108 = arith.constant 50 : i32
        %lt3A_109 = arith.cmpi slt, %add3A_107, %lt3A_108 : i32
        %convert_element_type3A_110 = arith.extui %lt3A_109 : i1 to i32
        %cond3A_111 = arith.constant 0 : i32
        %cond3A_112 = arith.cmpi ne, %convert_element_type3A_110, %cond3A_111 : i32
        scf.if %cond3A_112 {
          %add3A_133 = arith.constant 1 : i32
          %add3A_134 = arith.addi %add3A_105, %add3A_133 : i32
          %dma_start3A_135 = arith.constant 0 : i32
          %dma_start3A_136 = tpu.memref_slice %arg8[%add3A_134, %dma_start3A_135] : memref<50x40xi32, #tpu.memory_space<vmem>> -> memref<1x40xi32, #tpu.memory_space<vmem>>
          %dma_start3A_137 = tpu.memref_squeeze %dma_start3A_136 : memref<1x40xi32, #tpu.memory_space<vmem>> -> memref<40xi32, #tpu.memory_space<vmem>>
          %dma_start3A_138 = arith.constant 0 : i32
          %dma_start3A_139 = arith.constant 0 : i32
          %dma_start3A_140 = tpu.memref_slice %arg2[%dma_start3A_138, %dma_start3A_139] : memref<10000x128xf32, #tpu.memory_space<hbm>> -> memref<10000x128xf32, #tpu.memory_space<hbm>>
          tpu.enqueue_indirect_dma source(%dma_start3A_140 : memref<10000x128xf32, #tpu.memory_space<hbm>>) target(%arg10 : memref<40x128xf32, #tpu.memory_space<vmem>>) offsets(%dma_start3A_137 : memref<40xi32, #tpu.memory_space<vmem>>) semaphore(%arg15 : memref<!tpu.dma_semaphore, #tpu.memory_space<semaphore_mem>>)
        } else {
        }
        %dma_wait3A_113 = arith.constant 0 : i32
        %dma_wait3A_114 = tpu.memref_slice %arg8[%add3A_105, %dma_wait3A_113] : memref<50x40xi32, #tpu.memory_space<vmem>> -> memref<1x40xi32, #tpu.memory_space<vmem>>
        %dma_wait3A_115 = tpu.memref_squeeze %dma_wait3A_114 : memref<1x40xi32, #tpu.memory_space<vmem>> -> memref<40xi32, #tpu.memory_space<vmem>>
        %dma_wait3A_116 = arith.constant 0 : i32
        %dma_wait3A_117 = arith.constant 0 : i32
        %dma_wait3A_118 = tpu.memref_slice %arg2[%dma_wait3A_116, %dma_wait3A_117] : memref<10000x128xf32, #tpu.memory_space<hbm>> -> memref<10000x128xf32, #tpu.memory_space<hbm>>
        tpu.wait_indirect_dma semaphore(%arg16 : memref<!tpu.dma_semaphore, #tpu.memory_space<semaphore_mem>>) src(%dma_wait3A_118 : memref<10000x128xf32, #tpu.memory_space<hbm>>) dst(%arg11 : memref<40x128xf32, #tpu.memory_space<vmem>>)
        %ge3A_119 = arith.constant 2 : i32
        %ge3A_120 = arith.cmpi sge, %add3A_105, %ge3A_119 : i32
        %convert_element_type3A_121 = arith.extui %ge3A_120 : i1 to i32
        %cond3A_122 = arith.constant 0 : i32
        %cond3A_123 = arith.cmpi ne, %convert_element_type3A_121, %cond3A_122 : i32
        scf.if %cond3A_123 {
          %dma_wait3A_133 = arith.constant 0 : i32
          %dma_wait3A_134 = tpu.memref_slice %arg9[%add3A_105, %dma_wait3A_133] : memref<50x40xi32, #tpu.memory_space<vmem>> -> memref<1x40xi32, #tpu.memory_space<vmem>>
          %dma_wait3A_135 = tpu.memref_squeeze %dma_wait3A_134 : memref<1x40xi32, #tpu.memory_space<vmem>> -> memref<40xi32, #tpu.memory_space<vmem>>
          %dma_wait3A_136 = arith.constant 0 : i32
          %dma_wait3A_137 = arith.constant 0 : i32
          %dma_wait3A_138 = tpu.memref_slice %arg7[%dma_wait3A_136, %dma_wait3A_137] : memref<10240x128xf32, #tpu.memory_space<vmem_shared>> -> memref<10240x128xf32, #tpu.memory_space<vmem_shared>>
          tpu.wait_indirect_dma semaphore(%arg18 : memref<!tpu.dma_semaphore, #tpu.memory_space<semaphore_mem>>) src(%arg13 : memref<40x128xf32, #tpu.memory_space<vmem>>) dst(%dma_wait3A_138 : memref<10240x128xf32, #tpu.memory_space<vmem_shared>>)
        } else {
        }
        %parallel_loop3A_124 = arith.constant 0 : i32
        %parallel_loop3A_125 = arith.constant 40 : i32
        %parallel_loop3A_126 = arith.constant 1 : i32
        scf.for %parallel_loop3A_133 = %parallel_loop3A_124 to %parallel_loop3A_125 step %parallel_loop3A_126  : i32 {
          %parallel_loop3A_134 = arith.constant 0 : i32
          %parallel_loop3A_135 = arith.addi %mul3A_41, %parallel_loop3A_134 : i32
          %parallel_loop3A_136 = arith.index_cast %parallel_loop3A_133 : i32 to index
          %parallel_loop3A_137 = arith.index_cast %parallel_loop3A_135 : i32 to index
          %parallel_loop3A_138 = tpu.vector_load %arg11[%parallel_loop3A_136, %parallel_loop3A_137] {strides = array<i32>} : memref<40x128xf32, #tpu.memory_space<vmem>>, vector<1x16xf32>,
          %parallel_loop3A_139 = vector.shape_cast %parallel_loop3A_138 : vector<1x16xf32> to vector<16xf32>
          %parallel_loop3A_140 = arith.constant 0.000000e+00 : f32
          %parallel_loop3A_141 = vector.broadcast %parallel_loop3A_140 : f32 to vector<16xf32>
          %parallel_loop3A_142 = arith.maximumf %parallel_loop3A_139, %parallel_loop3A_141 : vector<16xf32>
          %parallel_loop3A_143 = arith.constant 1.000000e-07 : f32
          %parallel_loop3A_144 = vector.broadcast %parallel_loop3A_143 : f32 to vector<16xf32>
          %parallel_loop3A_145 = arith.addf %parallel_loop3A_142, %parallel_loop3A_144 : vector<16xf32>
          %parallel_loop3A_146 = arith.mulf %parallel_loop3A_145, %get3A_1 : vector<16xf32>
          %parallel_loop3A_147 = math.exp %parallel_loop3A_146 : vector<16xf32>
          %parallel_loop3A_148 = arith.index_cast %parallel_loop3A_133 : i32 to index
          %parallel_loop3A_149 = arith.constant 0 : index
          %parallel_loop3A_150 = tpu.vector_load %arg13[%parallel_loop3A_148, %parallel_loop3A_149] {strides = array<i32>} : memref<40x128xf32, #tpu.memory_space<vmem>>, vector<1x16xf32>,
          %parallel_loop3A_151 = vector.shape_cast %parallel_loop3A_150 : vector<1x16xf32> to vector<16xf32>
          %parallel_loop3A_152 = vector.shape_cast %parallel_loop3A_147 : vector<16xf32> to vector<1x16xf32>
          tpu.vector_store %arg13[%parallel_loop3A_148, %parallel_loop3A_149], %parallel_loop3A_152 {strides = array<i32>} : memref<40x128xf32, #tpu.memory_space<vmem>>, vector<1x16xf32>,
          %parallel_loop3A_153 = arith.mulf %parallel_loop3A_145, %parallel_loop3A_147 : vector<16xf32>
          %parallel_loop3A_154 = arith.index_cast %parallel_loop3A_133 : i32 to index
          %parallel_loop3A_155 = arith.constant 64 : index
          %parallel_loop3A_156 = tpu.vector_load %arg13[%parallel_loop3A_154, %parallel_loop3A_155] {strides = array<i32>} : memref<40x128xf32, #tpu.memory_space<vmem>>, vector<1x16xf32>,
          %parallel_loop3A_157 = vector.shape_cast %parallel_loop3A_156 : vector<1x16xf32> to vector<16xf32>
          %parallel_loop3A_158 = vector.shape_cast %parallel_loop3A_153 : vector<16xf32> to vector<1x16xf32>
          tpu.vector_store %arg13[%parallel_loop3A_154, %parallel_loop3A_155], %parallel_loop3A_158 {strides = array<i32>} : memref<40x128xf32, #tpu.memory_space<vmem>>, vector<1x16xf32>,
          %parallel_loop3A_159 = arith.constant 16 : i32
          %parallel_loop3A_160 = arith.addi %mul3A_41, %parallel_loop3A_159 : i32
          %parallel_loop3A_161 = arith.index_cast %parallel_loop3A_133 : i32 to index
          %parallel_loop3A_162 = arith.index_cast %parallel_loop3A_160 : i32 to index
          %parallel_loop3A_163 = tpu.vector_load %arg11[%parallel_loop3A_161, %parallel_loop3A_162] {strides = array<i32>} : memref<40x128xf32, #tpu.memory_space<vmem>>, vector<1x16xf32>,
          %parallel_loop3A_164 = vector.shape_cast %parallel_loop3A_163 : vector<1x16xf32> to vector<16xf32>
          %parallel_loop3A_165 = arith.constant 0.000000e+00 : f32
          %parallel_loop3A_166 = vector.broadcast %parallel_loop3A_165 : f32 to vector<16xf32>
          %parallel_loop3A_167 = arith.maximumf %parallel_loop3A_164, %parallel_loop3A_166 : vector<16xf32>
          %parallel_loop3A_168 = arith.constant 1.000000e-07 : f32
          %parallel_loop3A_169 = vector.broadcast %parallel_loop3A_168 : f32 to vector<16xf32>
          %parallel_loop3A_170 = arith.addf %parallel_loop3A_167, %parallel_loop3A_169 : vector<16xf32>
          %parallel_loop3A_171 = arith.mulf %parallel_loop3A_170, %get3A_1 : vector<16xf32>
          %parallel_loop3A_172 = math.exp %parallel_loop3A_171 : vector<16xf32>
          %parallel_loop3A_173 = arith.index_cast %parallel_loop3A_133 : i32 to index
          %parallel_loop3A_174 = arith.constant 16 : index
          %parallel_loop3A_175 = tpu.vector_load %arg13[%parallel_loop3A_173, %parallel_loop3A_174] {strides = array<i32>} : memref<40x128xf32, #tpu.memory_space<vmem>>, vector<1x16xf32>,
          %parallel_loop3A_176 = vector.shape_cast %parallel_loop3A_175 : vector<1x16xf32> to vector<16xf32>
          %parallel_loop3A_177 = vector.shape_cast %parallel_loop3A_172 : vector<16xf32> to vector<1x16xf32>
          tpu.vector_store %arg13[%parallel_loop3A_173, %parallel_loop3A_174], %parallel_loop3A_177 {strides = array<i32>} : memref<40x128xf32, #tpu.memory_space<vmem>>, vector<1x16xf32>,
          %parallel_loop3A_178 = arith.mulf %parallel_loop3A_170, %parallel_loop3A_172 : vector<16xf32>
          %parallel_loop3A_179 = arith.index_cast %parallel_loop3A_133 : i32 to index
          %parallel_loop3A_180 = arith.constant 80 : index
          %parallel_loop3A_181 = tpu.vector_load %arg13[%parallel_loop3A_179, %parallel_loop3A_180] {strides = array<i32>} : memref<40x128xf32, #tpu.memory_space<vmem>>, vector<1x16xf32>,
          %parallel_loop3A_182 = vector.shape_cast %parallel_loop3A_181 : vector<1x16xf32> to vector<16xf32>
          %parallel_loop3A_183 = vector.shape_cast %parallel_loop3A_178 : vector<16xf32> to vector<1x16xf32>
          tpu.vector_store %arg13[%parallel_loop3A_179, %parallel_loop3A_180], %parallel_loop3A_183 {strides = array<i32>} : memref<40x128xf32, #tpu.memory_space<vmem>>, vector<1x16xf32>,
          %parallel_loop3A_184 = arith.constant 32 : i32
          %parallel_loop3A_185 = arith.addi %mul3A_41, %parallel_loop3A_184 : i32
          %parallel_loop3A_186 = arith.index_cast %parallel_loop3A_133 : i32 to index
          %parallel_loop3A_187 = arith.index_cast %parallel_loop3A_185 : i32 to index
          %parallel_loop3A_188 = tpu.vector_load %arg11[%parallel_loop3A_186, %parallel_loop3A_187] {strides = array<i32>} : memref<40x128xf32, #tpu.memory_space<vmem>>, vector<1x16xf32>,
          %parallel_loop3A_189 = vector.shape_cast %parallel_loop3A_188 : vector<1x16xf32> to vector<16xf32>
          %parallel_loop3A_190 = arith.constant 0.000000e+00 : f32
          %parallel_loop3A_191 = vector.broadcast %parallel_loop3A_190 : f32 to vector<16xf32>
          %parallel_loop3A_192 = arith.maximumf %parallel_loop3A_189, %parallel_loop3A_191 : vector<16xf32>
          %parallel_loop3A_193 = arith.constant 1.000000e-07 : f32
          %parallel_loop3A_194 = vector.broadcast %parallel_loop3A_193 : f32 to vector<16xf32>
          %parallel_loop3A_195 = arith.addf %parallel_loop3A_192, %parallel_loop3A_194 : vector<16xf32>
          %parallel_loop3A_196 = arith.mulf %parallel_loop3A_195, %get3A_1 : vector<16xf32>
          %parallel_loop3A_197 = math.exp %parallel_loop3A_196 : vector<16xf32>
          %parallel_loop3A_198 = arith.index_cast %parallel_loop3A_133 : i32 to index
          %parallel_loop3A_199 = arith.constant 32 : index
          %parallel_loop3A_200 = tpu.vector_load %arg13[%parallel_loop3A_198, %parallel_loop3A_199] {strides = array<i32>} : memref<40x128xf32, #tpu.memory_space<vmem>>, vector<1x16xf32>,
          %parallel_loop3A_201 = vector.shape_cast %parallel_loop3A_200 : vector<1x16xf32> to vector<16xf32>
          %parallel_loop3A_202 = vector.shape_cast %parallel_loop3A_197 : vector<16xf32> to vector<1x16xf32>
          tpu.vector_store %arg13[%parallel_loop3A_198, %parallel_loop3A_199], %parallel_loop3A_202 {strides = array<i32>} : memref<40x128xf32, #tpu.memory_space<vmem>>, vector<1x16xf32>,
          %parallel_loop3A_203 = arith.mulf %parallel_loop3A_195, %parallel_loop3A_197 : vector<16xf32>
          %parallel_loop3A_204 = arith.index_cast %parallel_loop3A_133 : i32 to index
          %parallel_loop3A_205 = arith.constant 96 : index
          %parallel_loop3A_206 = tpu.vector_load %arg13[%parallel_loop3A_204, %parallel_loop3A_205] {strides = array<i32>} : memref<40x128xf32, #tpu.memory_space<vmem>>, vector<1x16xf32>,
          %parallel_loop3A_207 = vector.shape_cast %parallel_loop3A_206 : vector<1x16xf32> to vector<16xf32>
          %parallel_loop3A_208 = vector.shape_cast %parallel_loop3A_203 : vector<16xf32> to vector<1x16xf32>
          tpu.vector_store %arg13[%parallel_loop3A_204, %parallel_loop3A_205], %parallel_loop3A_208 {strides = array<i32>} : memref<40x128xf32, #tpu.memory_space<vmem>>, vector<1x16xf32>,
          %parallel_loop3A_209 = arith.constant 48 : i32
          %parallel_loop3A_210 = arith.addi %mul3A_41, %parallel_loop3A_209 : i32
          %parallel_loop3A_211 = arith.index_cast %parallel_loop3A_133 : i32 to index
          %parallel_loop3A_212 = arith.index_cast %parallel_loop3A_210 : i32 to index
          %parallel_loop3A_213 = tpu.vector_load %arg11[%parallel_loop3A_211, %parallel_loop3A_212] {strides = array<i32>} : memref<40x128xf32, #tpu.memory_space<vmem>>, vector<1x16xf32>,
          %parallel_loop3A_214 = vector.shape_cast %parallel_loop3A_213 : vector<1x16xf32> to vector<16xf32>
          %parallel_loop3A_215 = arith.constant 0.000000e+00 : f32
          %parallel_loop3A_216 = vector.broadcast %parallel_loop3A_215 : f32 to vector<16xf32>
          %parallel_loop3A_217 = arith.maximumf %parallel_loop3A_214, %parallel_loop3A_216 : vector<16xf32>
          %parallel_loop3A_218 = arith.constant 1.000000e-07 : f32
          %parallel_loop3A_219 = vector.broadcast %parallel_loop3A_218 : f32 to vector<16xf32>
          %parallel_loop3A_220 = arith.addf %parallel_loop3A_217, %parallel_loop3A_219 : vector<16xf32>
          %parallel_loop3A_221 = arith.mulf %parallel_loop3A_220, %get3A_1 : vector<16xf32>
          %parallel_loop3A_222 = math.exp %parallel_loop3A_221 : vector<16xf32>
          %parallel_loop3A_223 = arith.index_cast %parallel_loop3A_133 : i32 to index
          %parallel_loop3A_224 = arith.constant 48 : index
          %parallel_loop3A_225 = tpu.vector_load %arg13[%parallel_loop3A_223, %parallel_loop3A_224] {strides = array<i32>} : memref<40x128xf32, #tpu.memory_space<vmem>>, vector<1x16xf32>,
          %parallel_loop3A_226 = vector.shape_cast %parallel_loop3A_225 : vector<1x16xf32> to vector<16xf32>
          %parallel_loop3A_227 = vector.shape_cast %parallel_loop3A_222 : vector<16xf32> to vector<1x16xf32>
          tpu.vector_store %arg13[%parallel_loop3A_223, %parallel_loop3A_224], %parallel_loop3A_227 {strides = array<i32>} : memref<40x128xf32, #tpu.memory_space<vmem>>, vector<1x16xf32>,
          %parallel_loop3A_228 = arith.mulf %parallel_loop3A_220, %parallel_loop3A_222 : vector<16xf32>
          %parallel_loop3A_229 = arith.index_cast %parallel_loop3A_133 : i32 to index
          %parallel_loop3A_230 = arith.constant 112 : index
          %parallel_loop3A_231 = tpu.vector_load %arg13[%parallel_loop3A_229, %parallel_loop3A_230] {strides = array<i32>} : memref<40x128xf32, #tpu.memory_space<vmem>>, vector<1x16xf32>,
          %parallel_loop3A_232 = vector.shape_cast %parallel_loop3A_231 : vector<1x16xf32> to vector<16xf32>
          %parallel_loop3A_233 = vector.shape_cast %parallel_loop3A_228 : vector<16xf32> to vector<1x16xf32>
          tpu.vector_store %arg13[%parallel_loop3A_229, %parallel_loop3A_230], %parallel_loop3A_233 {strides = array<i32>} : memref<40x128xf32, #tpu.memory_space<vmem>>, vector<1x16xf32>,
        } {sc.loop_unroll_factor = 4 : i64, sc.parallel_access}
        %dma_start3A_127 = arith.constant 0 : i32
        %dma_start3A_128 = tpu.memref_slice %arg9[%add3A_105, %dma_start3A_127] : memref<50x40xi32, #tpu.memory_space<vmem>> -> memref<1x40xi32, #tpu.memory_space<vmem>>
        %dma_start3A_129 = tpu.memref_squeeze %dma_start3A_128 : memref<1x40xi32, #tpu.memory_space<vmem>> -> memref<40xi32, #tpu.memory_space<vmem>>
        %dma_start3A_130 = arith.constant 0 : i32
        %dma_start3A_131 = arith.constant 0 : i32
        %dma_start3A_132 = tpu.memref_slice %arg7[%dma_start3A_130, %dma_start3A_131] : memref<10240x128xf32, #tpu.memory_space<vmem_shared>> -> memref<10240x128xf32, #tpu.memory_space<vmem_shared>>
        tpu.enqueue_indirect_dma source(%arg13 : memref<40x128xf32, #tpu.memory_space<vmem>>) target(%dma_start3A_132 : memref<10240x128xf32, #tpu.memory_space<vmem_shared>>) offsets(%dma_start3A_129 : memref<40xi32, #tpu.memory_space<vmem>>) semaphore(%arg18 : memref<!tpu.dma_semaphore, #tpu.memory_space<semaphore_mem>>) {add = true}
      }
      %scan3A_61 = arith.constant 25 : i32
      %dma_wait3A = arith.constant 0 : i32
      %dma_wait3A_62 = arith.constant 0 : i32
      %dma_wait3A_63 = tpu.memref_slice %arg9[%dma_wait3A, %dma_wait3A_62] : memref<50x40xi32, #tpu.memory_space<vmem>> -> memref<1x40xi32, #tpu.memory_space<vmem>>
      %dma_wait3A_64 = tpu.memref_squeeze %dma_wait3A_63 : memref<1x40xi32, #tpu.memory_space<vmem>> -> memref<40xi32, #tpu.memory_space<vmem>>
      %dma_wait3A_65 = arith.constant 0 : i32
      %dma_wait3A_66 = arith.constant 0 : i32
      %dma_wait3A_67 = tpu.memref_slice %arg7[%dma_wait3A_65, %dma_wait3A_66] : memref<10240x128xf32, #tpu.memory_space<vmem_shared>> -> memref<10240x128xf32, #tpu.memory_space<vmem_shared>>
      tpu.wait_indirect_dma semaphore(%arg17 : memref<!tpu.dma_semaphore, #tpu.memory_space<semaphore_mem>>) src(%arg12 : memref<40x128xf32, #tpu.memory_space<vmem>>) dst(%dma_wait3A_67 : memref<10240x128xf32, #tpu.memory_space<vmem_shared>>)
      %dma_wait3A_68 = arith.constant 0 : i32
      %dma_wait3A_69 = arith.constant 0 : i32
      %dma_wait3A_70 = tpu.memref_slice %arg9[%dma_wait3A_68, %dma_wait3A_69] : memref<50x40xi32, #tpu.memory_space<vmem>> -> memref<1x40xi32, #tpu.memory_space<vmem>>
      %dma_wait3A_71 = tpu.memref_squeeze %dma_wait3A_70 : memref<1x40xi32, #tpu.memory_space<vmem>> -> memref<40xi32, #tpu.memory_space<vmem>>
      %dma_wait3A_72 = arith.constant 0 : i32
      %dma_wait3A_73 = arith.constant 0 : i32
      %dma_wait3A_74 = tpu.memref_slice %arg7[%dma_wait3A_72, %dma_wait3A_73] : memref<10240x128xf32, #tpu.memory_space<vmem_shared>> -> memref<10240x128xf32, #tpu.memory_space<vmem_shared>>
      tpu.wait_indirect_dma semaphore(%arg18 : memref<!tpu.dma_semaphore, #tpu.memory_space<semaphore_mem>>) src(%arg13 : memref<40x128xf32, #tpu.memory_space<vmem>>) dst(%dma_wait3A_74 : memref<10240x128xf32, #tpu.memory_space<vmem_shared>>)
    }
    %scan3A_47 = arith.constant 10 : i32
    %barrier3A_48 = arith.constant 0 : index
    tpu.barrier barrier_id(%barrier3A_48)
    "tpu.region"() ({
      %run_scoped3A = tpu.sem_alloc : memref<!tpu.dma_semaphore, #tpu.memory_space<semaphore_mem>>
      %dma_start3A = arith.constant 0 : i32
      %dma_start3A_49 = tpu.memref_slice %arg6[%arg0, %mul3A_8, %dma_start3A] : memref<2x10240x128xf32, #tpu.memory_space<hbm>> -> memref<1x640x128xf32, #tpu.memory_space<hbm>>
      %dma_start3A_50 = tpu.memref_squeeze %dma_start3A_49 : memref<1x640x128xf32, #tpu.memory_space<hbm>> -> memref<640x128xf32, #tpu.memory_space<hbm>>
      %dma_start3A_51 = arith.constant 0 : i32
      %dma_start3A_52 = tpu.memref_slice %arg7[%mul3A_8, %dma_start3A_51] : memref<10240x128xf32, #tpu.memory_space<vmem_shared>> -> memref<640x128xf32, #tpu.memory_space<vmem_shared>>
      tpu.enqueue_dma source(%dma_start3A_52 : memref<640x128xf32, #tpu.memory_space<vmem_shared>>) target(%dma_start3A_50 : memref<640x128xf32, #tpu.memory_space<hbm>>) target_semaphore(%run_scoped3A : memref<!tpu.dma_semaphore, #tpu.memory_space<semaphore_mem>>)
      %dma_wait3A = arith.constant 0 : i32
      %dma_wait3A_53 = tpu.memref_slice %arg6[%arg0, %mul3A_8, %dma_wait3A] : memref<2x10240x128xf32, #tpu.memory_space<hbm>> -> memref<1x640x128xf32, #tpu.memory_space<hbm>>
      %dma_wait3A_54 = tpu.memref_squeeze %dma_wait3A_53 : memref<1x640x128xf32, #tpu.memory_space<hbm>> -> memref<640x128xf32, #tpu.memory_space<hbm>>
      %dma_wait3A_55 = arith.constant 0 : i32
      %dma_wait3A_56 = tpu.memref_slice %arg7[%mul3A_8, %dma_wait3A_55] : memref<10240x128xf32, #tpu.memory_space<vmem_shared>> -> memref<640x128xf32, #tpu.memory_space<vmem_shared>>
      tpu.wait_dma2 semaphore(%run_scoped3A : memref<!tpu.dma_semaphore, #tpu.memory_space<semaphore_mem>>) src(%dma_wait3A_56 : memref<640x128xf32, #tpu.memory_space<vmem_shared>>) dst(%dma_wait3A_54 : memref<640x128xf32, #tpu.memory_space<hbm>>)
      tpu.yield
    }) : () -> ()
    return
  }
}

module attributes {stable_mosaic.version = 14 : i64} {
  func.func @_tc_dense_kernel(%arg0: i32, %arg1: memref<1000x128xf32, #tpu.memory_space<vmem>>, %arg2: memref<1000x128xf32, #tpu.memory_space<vmem>>, %arg3: memref<1000x128xf32, #tpu.memory_space<vmem>>, %arg4: memref<128x256xf32, #tpu.memory_space<vmem>>, %arg5: memref<1x256xf32, #tpu.memory_space<vmem>>, %arg6: memref<1x256xf32, #tpu.memory_space<vmem>>, %arg7: memref<1x256xf32, #tpu.memory_space<vmem>>, %arg8: memref<256x128xf32, #tpu.memory_space<vmem>>, %arg9: memref<1x128xf32, #tpu.memory_space<vmem>>, %arg10: memref<1x128xf32, #tpu.memory_space<vmem>>, %arg11: memref<1x128xf32, #tpu.memory_space<vmem>>, %arg12: memref<1000x128xf32, #tpu.memory_space<vmem>>) attributes {dimension_semantics = [#tpu.dimension_semantics<arbitrary>], iteration_bounds = array<i64: 10>, scalar_prefetch = 0 : i64, scratch_operands = 0 : i64, tpu.core_type = #tpu.core_type<tc>, window_params = [{transform_indices = @transform_0, window_bounds = array<i64: 1000, 128>}, {transform_indices = @transform_1, window_bounds = array<i64: 1000, 128>}, {transform_indices = @transform_2, window_bounds = array<i64: 1000, 128>}, {pipeline_mode = #tpu.pipeline_mode<synchronous>, transform_indices = @transform_3, window_bounds = array<i64: 128, 256>}, {pipeline_mode = #tpu.pipeline_mode<synchronous>, transform_indices = @transform_4, window_bounds = array<i64: 1, 256>}, {pipeline_mode = #tpu.pipeline_mode<synchronous>, transform_indices = @transform_5, window_bounds = array<i64: 1, 256>}, {pipeline_mode = #tpu.pipeline_mode<synchronous>, transform_indices = @transform_6, window_bounds = array<i64: 1, 256>}, {pipeline_mode = #tpu.pipeline_mode<synchronous>, transform_indices = @transform_7, window_bounds = array<i64: 256, 128>}, {pipeline_mode = #tpu.pipeline_mode<synchronous>, transform_indices = @transform_8, window_bounds = array<i64: 1, 128>}, {pipeline_mode = #tpu.pipeline_mode<synchronous>, transform_indices = @transform_9, window_bounds = array<i64: 1, 128>}, {pipeline_mode = #tpu.pipeline_mode<synchronous>, transform_indices = @transform_10, window_bounds = array<i64: 1, 128>}, {transform_indices = @transform_11, window_bounds = array<i64: 1000, 128>}]} {
    %get3A = arith.constant 0 : index
    %get3A_0 = arith.constant 0 : index
    %get3A_1 = vector.load %arg1[%get3A, %get3A_0] : memref<1000x128xf32, #tpu.memory_space<vmem>>, vector<1000x128xf32>
    %get3A_2 = arith.constant 0 : index
    %get3A_3 = arith.constant 0 : index
    %get3A_4 = vector.load %arg3[%get3A_2, %get3A_3] : memref<1000x128xf32, #tpu.memory_space<vmem>>, vector<1000x128xf32>
    %get3A_5 = arith.constant 0 : index
    %get3A_6 = arith.constant 0 : index
    %get3A_7 = vector.load %arg2[%get3A_5, %get3A_6] : memref<1000x128xf32, #tpu.memory_space<vmem>>, vector<1000x128xf32>
    %add3A = arith.constant 1.000000e-16 : f32
    %add3A_8 = vector.broadcast %add3A : f32 to vector<1000x128xf32>
    %add3A_9 = arith.addf %get3A_7, %add3A_8 : vector<1000x128xf32>
    %div3A = arith.divf %get3A_4, %add3A_9 : vector<1000x128xf32>
    %add3A_10 = arith.addf %div3A, %get3A_1 : vector<1000x128xf32>
    %get3A_11 = arith.constant 0 : index
    %get3A_12 = arith.constant 0 : index
    %get3A_13 = vector.load %arg4[%get3A_11, %get3A_12] : memref<128x256xf32, #tpu.memory_space<vmem>>, vector<128x256xf32>
    %dot_general3A = arith.constant dense<0.000000e+00> : vector<1000x256xf32>
    %dot_general3A_14 = tpu.matmul %add3A_10, %get3A_13, %dot_general3A {dimension_numbers = #tpu.dot_dimension_numbers<[1], [0], [0], [1], [0, 0, 1, 1], [], []>, precision = #tpu.contract_precision<fp32>, transpose_lhs_hint = false} : vector<1000x128xf32>, vector<128x256xf32>, vector<1000x256xf32> -> vector<1000x256xf32>
    %get3A_15 = arith.constant 0 : index
    %get3A_16 = arith.constant 0 : index
    %get3A_17 = vector.load %arg5[%get3A_15, %get3A_16] : memref<1x256xf32, #tpu.memory_space<vmem>>, vector<1x256xf32>
    %add3A_18 = vector.broadcast %get3A_17 : vector<1x256xf32> to vector<1000x256xf32>
    %add3A_19 = arith.addf %dot_general3A_14, %add3A_18 : vector<1000x256xf32>
    %reduce_sum3A = arith.constant dense<0.000000e+00> : vector<1000xf32>
    %reduce_sum3A_20 = vector.multi_reduction <add>, %add3A_19, %reduce_sum3A [1] : vector<1000x256xf32> to vector<1000xf32>
    %broadcast_in_dim3A = vector.shape_cast %reduce_sum3A_20 : vector<1000xf32> to vector<1000x1xf32>
    %div3A_21 = arith.constant 2.560000e+02 : f32
    %div3A_22 = vector.broadcast %div3A_21 : f32 to vector<1000x1xf32>
    %div3A_23 = arith.divf %broadcast_in_dim3A, %div3A_22 : vector<1000x1xf32>
    %sub3A = vector.broadcast %div3A_23 : vector<1000x1xf32> to vector<1000x256xf32>
    %sub3A_24 = arith.subf %add3A_19, %sub3A : vector<1000x256xf32>
    %integer_pow3A = arith.mulf %sub3A_24, %sub3A_24 : vector<1000x256xf32>
    %reduce_sum3A_25 = arith.constant dense<0.000000e+00> : vector<1000xf32>
    %reduce_sum3A_26 = vector.multi_reduction <add>, %integer_pow3A, %reduce_sum3A_25 [1] : vector<1000x256xf32> to vector<1000xf32>
    %broadcast_in_dim3A_27 = vector.shape_cast %reduce_sum3A_26 : vector<1000xf32> to vector<1000x1xf32>
    %div3A_28 = arith.constant 2.560000e+02 : f32
    %div3A_29 = vector.broadcast %div3A_28 : f32 to vector<1000x1xf32>
    %div3A_30 = arith.divf %broadcast_in_dim3A_27, %div3A_29 : vector<1000x1xf32>
    %sub3A_31 = vector.broadcast %div3A_23 : vector<1000x1xf32> to vector<1000x256xf32>
    %sub3A_32 = arith.subf %add3A_19, %sub3A_31 : vector<1000x256xf32>
    %add3A_33 = arith.constant 9.99999974E-6 : f32
    %add3A_34 = vector.broadcast %add3A_33 : f32 to vector<1000x1xf32>
    %add3A_35 = arith.addf %div3A_30, %add3A_34 : vector<1000x1xf32>
    %sqrt3A = math.sqrt %add3A_35 : vector<1000x1xf32>
    %div3A_36 = vector.broadcast %sqrt3A : vector<1000x1xf32> to vector<1000x256xf32>
    %div3A_37 = arith.divf %sub3A_32, %div3A_36 : vector<1000x256xf32>
    %get3A_38 = arith.constant 0 : index
    %get3A_39 = arith.constant 0 : index
    %get3A_40 = vector.load %arg6[%get3A_38, %get3A_39] : memref<1x256xf32, #tpu.memory_space<vmem>>, vector<1x256xf32>
    %mul3A = vector.broadcast %get3A_40 : vector<1x256xf32> to vector<1000x256xf32>
    %mul3A_41 = arith.mulf %div3A_37, %mul3A : vector<1000x256xf32>
    %get3A_42 = arith.constant 0 : index
    %get3A_43 = arith.constant 0 : index
    %get3A_44 = vector.load %arg7[%get3A_42, %get3A_43] : memref<1x256xf32, #tpu.memory_space<vmem>>, vector<1x256xf32>
    %add3A_45 = vector.broadcast %get3A_44 : vector<1x256xf32> to vector<1000x256xf32>
    %add3A_46 = arith.addf %mul3A_41, %add3A_45 : vector<1000x256xf32>
    %max3A = arith.constant 0.000000e+00 : f32
    %max3A_47 = vector.broadcast %max3A : f32 to vector<1000x256xf32>
    %max3A_48 = arith.maximumf %add3A_46, %max3A_47 : vector<1000x256xf32>
    %get3A_49 = arith.constant 0 : index
    %get3A_50 = arith.constant 0 : index
    %get3A_51 = vector.load %arg8[%get3A_49, %get3A_50] : memref<256x128xf32, #tpu.memory_space<vmem>>, vector<256x128xf32>
    %dot_general3A_52 = arith.constant dense<0.000000e+00> : vector<1000x128xf32>
    %dot_general3A_53 = tpu.matmul %max3A_48, %get3A_51, %dot_general3A_52 {dimension_numbers = #tpu.dot_dimension_numbers<[1], [0], [0], [1], [0, 0, 1, 1], [], []>, precision = #tpu.contract_precision<fp32>, transpose_lhs_hint = false} : vector<1000x256xf32>, vector<256x128xf32>, vector<1000x128xf32> -> vector<1000x128xf32>
    %get3A_54 = arith.constant 0 : index
    %get3A_55 = arith.constant 0 : index
    %get3A_56 = vector.load %arg9[%get3A_54, %get3A_55] : memref<1x128xf32, #tpu.memory_space<vmem>>, vector<1x128xf32>
    %add3A_57 = vector.broadcast %get3A_56 : vector<1x128xf32> to vector<1000x128xf32>
    %add3A_58 = arith.addf %dot_general3A_53, %add3A_57 : vector<1000x128xf32>
    %reduce_sum3A_59 = arith.constant dense<0.000000e+00> : vector<1000xf32>
    %reduce_sum3A_60 = vector.multi_reduction <add>, %add3A_58, %reduce_sum3A_59 [1] : vector<1000x128xf32> to vector<1000xf32>
    %broadcast_in_dim3A_61 = vector.shape_cast %reduce_sum3A_60 : vector<1000xf32> to vector<1000x1xf32>
    %div3A_62 = arith.constant 1.280000e+02 : f32
    %div3A_63 = vector.broadcast %div3A_62 : f32 to vector<1000x1xf32>
    %div3A_64 = arith.divf %broadcast_in_dim3A_61, %div3A_63 : vector<1000x1xf32>
    %sub3A_65 = vector.broadcast %div3A_64 : vector<1000x1xf32> to vector<1000x128xf32>
    %sub3A_66 = arith.subf %add3A_58, %sub3A_65 : vector<1000x128xf32>
    %integer_pow3A_67 = arith.mulf %sub3A_66, %sub3A_66 : vector<1000x128xf32>
    %reduce_sum3A_68 = arith.constant dense<0.000000e+00> : vector<1000xf32>
    %reduce_sum3A_69 = vector.multi_reduction <add>, %integer_pow3A_67, %reduce_sum3A_68 [1] : vector<1000x128xf32> to vector<1000xf32>
    %broadcast_in_dim3A_70 = vector.shape_cast %reduce_sum3A_69 : vector<1000xf32> to vector<1000x1xf32>
    %div3A_71 = arith.constant 1.280000e+02 : f32
    %div3A_72 = vector.broadcast %div3A_71 : f32 to vector<1000x1xf32>
    %div3A_73 = arith.divf %broadcast_in_dim3A_70, %div3A_72 : vector<1000x1xf32>
    %sub3A_74 = vector.broadcast %div3A_64 : vector<1000x1xf32> to vector<1000x128xf32>
    %sub3A_75 = arith.subf %add3A_58, %sub3A_74 : vector<1000x128xf32>
    %add3A_76 = arith.constant 9.99999974E-6 : f32
    %add3A_77 = vector.broadcast %add3A_76 : f32 to vector<1000x1xf32>
    %add3A_78 = arith.addf %div3A_73, %add3A_77 : vector<1000x1xf32>
    %sqrt3A_79 = math.sqrt %add3A_78 : vector<1000x1xf32>
    %div3A_80 = vector.broadcast %sqrt3A_79 : vector<1000x1xf32> to vector<1000x128xf32>
    %div3A_81 = arith.divf %sub3A_75, %div3A_80 : vector<1000x128xf32>
    %get3A_82 = arith.constant 0 : index
    %get3A_83 = arith.constant 0 : index
    %get3A_84 = vector.load %arg10[%get3A_82, %get3A_83] : memref<1x128xf32, #tpu.memory_space<vmem>>, vector<1x128xf32>
    %mul3A_85 = vector.broadcast %get3A_84 : vector<1x128xf32> to vector<1000x128xf32>
    %mul3A_86 = arith.mulf %div3A_81, %mul3A_85 : vector<1000x128xf32>
    %get3A_87 = arith.constant 0 : index
    %get3A_88 = arith.constant 0 : index
    %get3A_89 = vector.load %arg11[%get3A_87, %get3A_88] : memref<1x128xf32, #tpu.memory_space<vmem>>, vector<1x128xf32>
    %add3A_90 = vector.broadcast %get3A_89 : vector<1x128xf32> to vector<1000x128xf32>
    %add3A_91 = arith.addf %mul3A_86, %add3A_90 : vector<1000x128xf32>
    %mul3A_92 = arith.constant 5.000000e-01 : f32
    %mul3A_93 = vector.broadcast %mul3A_92 : f32 to vector<1000x128xf32>
    %mul3A_94 = arith.mulf %mul3A_93, %add3A_91 : vector<1000x128xf32>
    %mul3A_95 = arith.constant 0.707106769 : f32
    %mul3A_96 = vector.broadcast %mul3A_95 : f32 to vector<1000x128xf32>
    %mul3A_97 = arith.mulf %add3A_91, %mul3A_96 : vector<1000x128xf32>
    %erf3A = math.erf %mul3A_97 : vector<1000x128xf32>
    %add3A_98 = arith.constant 1.000000e+00 : f32
    %add3A_99 = vector.broadcast %add3A_98 : f32 to vector<1000x128xf32>
    %add3A_100 = arith.addf %add3A_99, %erf3A : vector<1000x128xf32>
    %mul3A_101 = arith.mulf %mul3A_94, %add3A_100 : vector<1000x128xf32>
    %add3A_102 = arith.addf %get3A_1, %mul3A_101 : vector<1000x128xf32>
    %swap3A = arith.constant 0 : index
    %swap3A_103 = arith.constant 0 : index
    %swap3A_104 = vector.load %arg12[%swap3A, %swap3A_103] : memref<1000x128xf32, #tpu.memory_space<vmem>>, vector<1000x128xf32>
    tpu.vector_store %arg12[%swap3A, %swap3A_103], %add3A_102 {strides = array<i32>} : memref<1000x128xf32, #tpu.memory_space<vmem>>, vector<1000x128xf32>,
    return
  }
  func.func @transform_0(%arg0: i32) -> (i32, i32) {
    %c0_i32 = arith.constant 0 : i32
    %c0_i32_0 = arith.constant 0 : i32
    return %arg0, %c0_i32 : i32, i32
  }
  func.func @transform_1(%arg0: i32) -> (i32, i32) {
    %c0_i32 = arith.constant 0 : i32
    %c0_i32_0 = arith.constant 0 : i32
    return %arg0, %c0_i32 : i32, i32
  }
  func.func @transform_2(%arg0: i32) -> (i32, i32) {
    %c0_i32 = arith.constant 0 : i32
    %c0_i32_0 = arith.constant 0 : i32
    return %arg0, %c0_i32 : i32, i32
  }
  func.func @transform_3(%arg0: i32) -> (i32, i32) {
    %c0_i32 = arith.constant 0 : i32
    %c0_i32_0 = arith.constant 0 : i32
    %c0_i32_1 = arith.constant 0 : i32
    return %c0_i32, %c0_i32_0 : i32, i32
  }
  func.func @transform_4(%arg0: i32) -> (i32, i32) {
    %c0_i32 = arith.constant 0 : i32
    %c0_i32_0 = arith.constant 0 : i32
    %c0_i32_1 = arith.constant 0 : i32
    return %c0_i32, %c0_i32_0 : i32, i32
  }
  func.func @transform_5(%arg0: i32) -> (i32, i32) {
    %c0_i32 = arith.constant 0 : i32
    %c0_i32_0 = arith.constant 0 : i32
    %c0_i32_1 = arith.constant 0 : i32
    return %c0_i32, %c0_i32_0 : i32, i32
  }
  func.func @transform_6(%arg0: i32) -> (i32, i32) {
    %c0_i32 = arith.constant 0 : i32
    %c0_i32_0 = arith.constant 0 : i32
    %c0_i32_1 = arith.constant 0 : i32
    return %c0_i32, %c0_i32_0 : i32, i32
  }
  func.func @transform_7(%arg0: i32) -> (i32, i32) {
    %c0_i32 = arith.constant 0 : i32
    %c0_i32_0 = arith.constant 0 : i32
    %c0_i32_1 = arith.constant 0 : i32
    return %c0_i32, %c0_i32_0 : i32, i32
  }
  func.func @transform_8(%arg0: i32) -> (i32, i32) {
    %c0_i32 = arith.constant 0 : i32
    %c0_i32_0 = arith.constant 0 : i32
    %c0_i32_1 = arith.constant 0 : i32
    return %c0_i32, %c0_i32_0 : i32, i32
  }
  func.func @transform_9(%arg0: i32) -> (i32, i32) {
    %c0_i32 = arith.constant 0 : i32
    %c0_i32_0 = arith.constant 0 : i32
    %c0_i32_1 = arith.constant 0 : i32
    return %c0_i32, %c0_i32_0 : i32, i32
  }
  func.func @transform_10(%arg0: i32) -> (i32, i32) {
    %c0_i32 = arith.constant 0 : i32
    %c0_i32_0 = arith.constant 0 : i32
    %c0_i32_1 = arith.constant 0 : i32
    return %c0_i32, %c0_i32_0 : i32, i32
  }
  func.func @transform_11(%arg0: i32) -> (i32, i32) {
    %c0_i32 = arith.constant 0 : i32
    %c0_i32_0 = arith.constant 0 : i32
    return %arg0, %c0_i32 : i32, i32
  }
}

</mosaic_0001>

<sc_bundles>
// kernel: kernel.4.cloned.1.call-start
scs
__scs_entry_jumppad:
0x0: {  	(pc) =	sbr.rel $0x88, $3  }
0x1: {  	(tag) =	ssettag $0x0;
	lr =	simm.s32 $0x1  }
0x2: {  	[smem:$0x3F96] =	sst lr;
	_ =	strace $0xD0000000  }
0x3: {  	_ = 	snop  }
0x4: {  	_ = 	snop  }
0x5: {  	_ = 	snop  }
0x6: {  	_ = 	snop  }
0x7: {  	_ = 	snop  }
__scs_overlays_trampoline_lowered:
0x8: {  	[smem:$0x3FA5] =	sst s0  }
0x9: {  	[smem:$0x3FA6] =	sst s1  }
0xa: {  	[smem:$0x3FA7] =	sst s2  }
0xb: {  	[smem:$0x3FA8] =	sst s3  }
0xc: {  	[smem:$0x3FA9] =	sst s4  }
0xd: {  	[smem:$0x3FAA] =	sst s5  }
0xe: {  	[smem:$0x3FAB] =	sst s6  }
0xf: {  	[smem:$0x3FAC] =	sst s7  }
0x10: {  	[smem:$0x3FAD] =	sst s8  }
0x11: {  	[smem:$0x3FAE] =	sst s9;
	s0 =	simm.s32 @!p0 $0x0  }
0x12: {  	s1 =	sld [smem:$0x3F94];
	s0 =	simm.s32 @p0 $0x1  }
0x13: {  	[smem:$0x3FAF] =	sst s0;
	s0 =	simm.s32 @!p1 $0x0  }
0x14: {  	s2 =	sld [smem:$0x3F93];
	s0 =	simm.s32 @p1 $0x1  }
0x15: {  	[smem:$0x3FB0] =	sst s0;
	s0 =	simm.s32 @!p2 $0x0  }
0x16: {  	s3 =	sld [smem:$0x3FDB];
	s0 =	simm.s32 @p2 $0x1  }
0x17: {  	s4 =	simm.s32 $0x1BF5;
	[smem:$0x3FB2] =	sst s0  }
0x18: {  	s0 =	sld [smem:$0x3F95];
	_ =	swait.ge [sflag:s4], $0x0  }
0x19: {  	s7 =	sld [smem:$0x3F96]  }
0x1a: {  	s8 =	sadd.s32 $0xFFFFE003, lr  }
0x1b: {  	s9 =	sadd.s32 $0xFFFFFEF7, lr;
	s5 =	simm.s32 $0xFFFFFFFF;
	p2 =	slt.u32 s8, $0xFFFFF086  }
0x1c: {  	p1 =	slt.u32 s9, $0xF7A;
	s5 =	simm.s32 @!p2 $0x0  }
0x1d: {  	s5 =	simm.s32 @p1 $0x1;
	p0 =	seq.s32 s7, s2  }
0x1e: {  	s7 =	smul.u32 @!p0 $0xF7A, s2;
	p2 =	seq.s32 @!p0 s5, $0x0  }
0x1f: {  	s9 =	smul.u32 $0xF7A, s1;
	s8 =	simm.s32 @!p0 $0x1BF5;
	p2 =	por !p2, p0  }
0x20: {  	[sflag:s8] =	ssyncset.s32 @!p0 $0xFFFFF086;
	s6 =	sadd.s32 @!p0 s3, s7;
	s7 =	simm.s32 @!p0 $0x108  }
0x21: {  	s3 =	sadd.s32 s3, s9;
	s6 =	sadd.s32 @!p0 $0x88, s6;
	s7 =	simm.s32 @p2 $0x1082  }
0x22: {  	[simem:s7], [sflag:s8] =	dma.local @!p0 [hbm:s6], $0xF7A  }
0x23: {  	s9 =	sor.u32 $0xD0000000, s2;
	s6 =	simm.s32 $0x108;
	_ =	swait.ge @!p0 [sflag:s8], $0x0  }
0x24: {  	s3 =	sadd.s32 $0x88, s3;
	s6 =	simm.s32 @!p1 $0x1082;
	[sflag:s4] =	ssyncset.s32 $0xFFFFF086  }
0x25: {  	[simem:s6], [sflag:s4] =	dma.local [hbm:s3], $0xF7A  }
0x26: {  	[smem:$0x3F96] =	sst s1;
	(tag) =	ssettag s2;
	_ =	strace s9  }
0x27: {  	s1 =	sld [smem:$0x3FA6]  }
0x28: {  	s2 =	sld [smem:$0x3FA7]  }
0x29: {  	s4 =	sld [smem:$0x3FA9]  }
0x2a: {  	p0 =	seq.s32 s5, $0x0;
	s5 =	sld [smem:$0x3FAA]  }
0x2b: {  	s6 =	sld [smem:$0x3FAB]  }
0x2c: {  	s7 =	sld [smem:$0x3FAC]  }
0x2d: {  	s3 =	simm.s32 $0x108;
	s8 =	sld [smem:$0x3FAD]  }
0x2e: {  	s3 =	simm.s32 @!p0 $0x1082;
	s9 =	sld [smem:$0x3FAE]  }
0x2f: {  	lr =	sadd.s32 s0, s3;
	s0 =	sld [smem:$0x3FA5]  }
0x30: {  	s3 =	sld [smem:$0x3FA8]  }
0x31: {  	[smem:$0x3FB1] =	sst s10  }
0x32: {  	s10 =	sld [smem:$0x3FAF];
	_ =	sdelay $0x3  }
0x33: {  	p0 =	seq.s32 s10, $0x1;
	s10 =	sld [smem:$0x3FB1];
	_ =	sdelay $0x3  }
0x34: {  	[smem:$0x3FB1] =	sst s10  }
0x35: {  	s10 =	sld [smem:$0x3FB0];
	_ =	sdelay $0x3  }
0x36: {  	p1 =	seq.s32 s10, $0x1;
	s10 =	sld [smem:$0x3FB1];
	_ =	sdelay $0x3  }
0x37: {  	[smem:$0x3FB1] =	sst s10  }
0x38: {  	s10 =	sld [smem:$0x3FB2]  }
0x39: {  	_ = 	snop;
	(pc) =	sbr.ind lr, $3  }
0x3a: {  	_ = 	snop  }
0x3b: {  	_ = 	snop  }
0x3c: {  	p2 =	seq.s32 s10, $0x1;
	s10 =	sld [smem:$0x3FB1]  }
0x3d: {  	_ =	shalt  }
0x3e: {  	_ =	shalt  }
0x3f: {  	_ =	shalt  }
0x40: {  	_ =	shalt  }
0x41: {  	_ =	shalt  }
0x42: {  	_ =	shalt  }
0x43: {  	_ =	shalt  }
0x44: {  	_ =	shalt  }
0x45: {  	_ =	shalt  }
0x46: {  	_ =	shalt  }
0x47: {  	_ =	shalt  }
0x48: {  	_ =	shalt  }
0x49: {  	_ =	shalt  }
0x4a: {  	_ =	shalt  }
0x4b: {  	_ =	shalt  }
0x4c: {  	_ =	shalt  }
0x4d: {  	_ =	shalt  }
0x4e: {  	_ =	shalt  }
0x4f: {  	_ =	shalt  }
0x50: {  	_ =	shalt  }
0x51: {  	_ =	shalt  }
0x52: {  	_ =	shalt  }
0x53: {  	_ =	shalt  }
0x54: {  	_ =	shalt  }
0x55: {  	_ =	shalt  }
0x56: {  	_ =	shalt  }
0x57: {  	_ =	shalt  }
0x58: {  	_ =	shalt  }
0x59: {  	_ =	shalt  }
0x5a: {  	_ =	shalt  }
0x5b: {  	_ =	shalt  }
0x5c: {  	_ =	shalt  }
0x5d: {  	_ =	shalt  }
0x5e: {  	_ =	shalt  }
0x5f: {  	_ =	shalt  }
0x60: {  	_ =	shalt  }
0x61: {  	_ =	shalt  }
0x62: {  	_ =	shalt  }
0x63: {  	_ =	shalt  }
0x64: {  	_ =	shalt  }
0x65: {  	_ =	shalt  }
0x66: {  	_ =	shalt  }
0x67: {  	_ =	shalt  }
0x68: {  	_ =	shalt  }
0x69: {  	_ =	shalt  }
0x6a: {  	_ =	shalt  }
0x6b: {  	_ =	shalt  }
0x6c: {  	_ =	shalt  }
0x6d: {  	_ =	shalt  }
0x6e: {  	_ =	shalt  }
0x6f: {  	_ =	shalt  }
0x70: {  	_ =	shalt  }
0x71: {  	_ =	shalt  }
0x72: {  	_ =	shalt  }
0x73: {  	_ =	shalt  }
0x74: {  	_ =	shalt  }
0x75: {  	_ =	shalt  }
0x76: {  	_ =	shalt  }
0x77: {  	_ =	shalt  }
0x78: {  	_ =	shalt  }
0x79: {  	_ =	shalt  }
0x7a: {  	_ =	shalt  }
0x7b: {  	_ =	shalt  }
0x7c: {  	_ =	shalt  }
0x7d: {  	_ =	shalt  }
0x7e: {  	_ =	shalt  }
0x7f: {  	_ =	shalt  }
0x80: {  	_ =	shalt  }
0x81: {  	_ =	shalt  }
0x82: {  	_ =	shalt  }
0x83: {  	_ =	shalt  }
0x84: {  	_ =	shalt  }
0x85: {  	_ =	shalt  }
0x86: {  	_ =	shalt  }
0x87: {  	_ =	shalt  }
.Lfunc_end0:
.L_simem_size_0:
called_computation_lowered:
.L_overlay_start_0:
0x88: {  	s2 =	sld [smem:$0x3FD9]  }
0x89: {  	s3 =	sld [smem:$0x3FFE];
	_ =	sdelay $0x1  }
0x8a: {  	s1 =	srdreg.scid  }
0x8b: {  	s0 =	sand.u32 $0x1, s1  }
0x8c: {  	s17 =	sshll.u32 s0, $0xA;
	s2 =	sadd.s32 s3, s2  }
0x8d: {  	s2 =	sadd.s32 s2, s17  }
0x8e: {  	[smem:$0x3FBD] =	sst s2  }
0x8f: {  	_ = 	snop  }
0x90: {  	s2 =	sld [smem:$0x3FC9]  }
0x91: {  	s18 =	sld [smem:$0x3FD0];
	(tm) =	ssettm $0x1  }
0x92: {  	s4 =	sld [smem:$0x3FFB];
	_ =	sdelay $0x3  }
0x93: {  	_ =	strace s4  }
0x94: {  	s4 =	sld [smem:$0x3FFC];
	_ =	sdelay $0x3  }
0x95: {  	_ =	strace s4  }
0x96: {  	s4 =	sld [smem:$0x3FFD];
	_ =	sdelay $0x3  }
0x97: {  	_ =	strace s4  }
0x98: {  	_ =	strace $0x8FFFFFFF  }
0x99: {  	s19 =	sld [smem:$0x3FDB];
	_ =	sdelay $0x1  }
0x9a: {  	s5 =	simm.s32 $_scs_section_size  }
0x9b: {  	s6 =	simm.s32 $_size__tile_overlayer_lowered;
	s7 =	simm.s32 $_tile_overlayer_lowered  }
0x9c: {  	s22 =	simm.s32 $0x1BFF;
	s21 =	sshll.u32 s7, $0x1;
	s4 =	sadd.s32 s5, s19  }
0x9d: {  	s8 =	simm.s32 $0x0;
	s20 =	sshll.u32 s6, $0x1;
	s6 =	sadd.s32 s21, s4  }
0x9e: {  	[timem:s8], [sflag:s22] =	dma.local [hbm:s6], s20  }
0x9f: {  	_ =	swait.ge [sflag:s22], s20  }
0xa0: {  	s5 =	ssub.s32 $0x0, s20;
	[sflag:s22] =	ssyncset.done $0x0  }
0xa1: {  	[sflag:s22] =	ssyncadd.s32 s5;
	_ =	sdelay $0x1  }
0xa2: {  	s23 =	simm.s32 $0x1B8B  }
0xa3: {  	_ =	swait.ge [sflag:s23], $0x1  }
0xa4: {  	[sflag:s23] =	ssyncset.done $0x0  }
0xa5: {  	s25 =	simm.s32 $0x1B8E;
	s24 =	sld [smem:$0x3FFE];
	[sflag:s23] =	ssyncadd.s32 $0xFFFFFFFF  }
0xa6: {  	s26 =	simm.s32 $execute0_lowered;
	[smem:$0x3FD2] =	sst s25  }
0xa7: {  	s6 =	sshll.u32 s26, $0x1;
	_ =	strace $0x80000046;
	[dreg:$0x1] =	wrdreg $0xFFFFFFFF  }
0xa8: {  	s28 =	simm.s32 $_size_execute0_lowered;
	s4 =	sadd.s32 s4, s6;
	[dreg:$0x0] =	wrdreg $0x0  }
0xa9: {  	s6 =	sshll.u32 s28, $0x1;
	[dreg:$0x2] =	wrdreg s4  }
0xaa: {  	[dreg:$0x3] =	wrdreg s6  }
0xab: {  	[dreg:$0x4] =	wrdreg $0xC0  }
0xac: {  	_ =	task [dreg:s8], $0x5FFFF  }
0xad: {  	[dreg:$0x1] =	wrdreg $0xFFFFFFFF  }
0xae: {  	[dreg:$0x0] =	wrdreg $0x60  }
0xaf: {  	[dreg:$0x2] =	wrdreg s2  }
0xb0: {  	[dreg:$0x3] =	wrdreg s18  }
0xb1: {  	[dreg:$0x4] =	wrdreg s24  }
0xb2: {  	[dreg:$0x5] =	wrdreg $0x0  }
0xb3: {  	[dreg:$0x6] =	wrdreg $0x9  }
0xb4: {  	_ =	task.clear_ibuf [dreg:s8], $0x7FFFF;
	_ =	strace $0x90000046  }
0xb5: {  	s29 =	simm.s32 $0x9;
	_ =	strace $0x80000048  }
0xb6: {  	_ =	swait.ge [sflag:s29], $0x1  }
0xb7: {  	[sflag:s29] =	ssyncadd.s32 $0xFFFFFFFF  }
0xb8: {  	_ =	strace $0x90000048  }
0xb9: {  	_ =	sfence  }
0xba: {  	s30 =	sld [smem:$0x0];
	_ =	sdelay $0x2  }
0xbb: {  	s31 =	sshll.u32 s1, $0xD;
	s1 =	sshrl.u32 s1, $0x2  }
0xbc: {  	s3 =	sand.u32 $0x4000, s31;
	s1 =	sadd.s32 s1, s30  }
0xbd: {  	s0 =	sor.u32 s3, s0;
	s1 =	sshll.u32 s1, $0x11  }
0xbe: {  	s0 =	sor.u32 s1, s0  }
0xbf: {  	s0 =	sadd.s32 $0x8F2B, s0  }
0xc0: {  	[sflag:s0] =	ssyncadd.remote.s32 $0x1  }
0xc1: {  	_ =	sfence.sel $0xFFFF  }
0xc2: {  	[dreg:$0x0] =	wrdreg $0xFFFFFFFF;
	(pc) =	sbr.abs _section_cstart, $3  }
0xc3: {  	[dreg:$0x1] =	wrdreg $0xFFFFFFFF  }
0xc4: {  	_ =	task.clear_ibuf [dreg:s8], $0x2FFFF;
	_ =	strace $0x9FFFFFFF  }
0xc5: {  	(tm) =	ssettm $0x7FFFFFFF  }
tec
execute0_lowered:
.L_overlay_start_1:
0x0: {  	(tag) =	ssettag $0x1  }
0x1: {  	s1 =	rddreg [dreg:$0x0]  }
0x2: {  	s0 =	rddreg [dreg:$0x2]  }
0x3: {  	s3 =	rddreg [dreg:$0x3];
	s7 =	stileid.u32  }
0x4: {  	s2 =	srdreg.scid;
	s5 =	simm.s32 $0x0;
	s6 =	smul.u32 $0x50000, s7  }
0x5: {  	[smem:$0x7FF] =	sst s5;
	s8 =	sadd.s32 $0x1800, s0;
	s9 =	sadd.s32 $0x24800, s0  }
0x6: {  	_ =	strace $0x80000047;
	[dreg:$0x5] =	wrdreg s8;
	s6 =	sshrl.u32 s6, $0x2  }
0x7: {  	s31 =	simm.s32 $0x5;
	[dreg:$0x6] =	wrdreg s9;
	s8 =	sadd.s32 s6, s3  }
0x8: {  	s30 =	simm.s32 $0x14000;
	s12 =	sadd.s32 $0x1400, s8;
	[dreg:$0x7] =	wrdreg s8  }
0x9: {  	s2 =	sand.u32 $0x1, s2;
	s13 =	sadd.s32 $0x2800, s8;
	[dreg:$0x8] =	wrdreg s12  }
0xa: {  	s28 =	smul.u32 $0x14000, s7;
	s14 =	sadd.s32 $0x3C00, s8;
	[dreg:$0x9] =	wrdreg s13  }
0xb: {  	s29 =	smul.u32 $0x11800, s7;
	s15 =	sadd.s32 $0x5000, s8;
	[dreg:$0xa] =	wrdreg s14  }
0xc: {  	s7 =	simm.s32 $0x28;
	s16 =	sadd.s32 $0x6400, s8;
	[dreg:$0xb] =	wrdreg s15  }
0xd: {  	s4 =	smul.u32 $0x140000, s2;
	s17 =	sadd.s32 $0x7800, s8;
	[dreg:$0xc] =	wrdreg s16  }
0xe: {  	s10 =	ssub.s32 $0x2, s2;
	s18 =	sadd.s32 $0x8C00, s8;
	[dreg:$0xd] =	wrdreg s17  }
0xf: {  	s2 =	sshll.u32 s2, $0x6;
	s19 =	sadd.s32 $0xA000, s8;
	[dreg:$0xe] =	wrdreg s18  }
0x10: {  	s9 =	simm.s32 $0x17800;
	s20 =	sadd.s32 $0xB400, s8;
	[dreg:$0xf] =	wrdreg s19  }
0x11: {  	s11 =	sshrl.u32 s10, $0x1;
	s21 =	sadd.s32 $0xC800, s8;
	[dreg:$0x10] =	wrdreg s20  }
0x12: {  	s4 =	sadd.s32 s28, s4;
	s22 =	sadd.s32 $0xDC00, s8;
	[dreg:$0x11] =	wrdreg s21  }
0x13: {  	s4 =	sshrl.u32 s4, $0x3;
	s23 =	sadd.s32 $0xF000, s8;
	[dreg:$0x12] =	wrdreg s22  }
0x14: {  	s24 =	sadd.s32 $0x10400, s8;
	s26 =	sadd.s32 $0x11800, s8;
	[dreg:$0x13] =	wrdreg s23  }
0x15: {  	s28 =	sadd.s32 $0x12C00, s8;
	s0 =	sadd.s32 s4, s0;
	[dreg:$0x14] =	wrdreg s24  }
0x16: {  	s4 =	ssub.s32 s10, s11;
	s24 =	sor.u32 $0x17900, s2;
	[dreg:$0x17] =	wrdreg s26  }
0x17: {  	[dreg:$0x18] =	wrdreg s28;
	s10 =	simm.s32 $0x18C00;
	s11 =	simm.s32 $0x1  }
0x18: {  	s12 =	simm.s32 $0x2;
	s13 =	simm.s32 $0x4;
	s14 =	simm.s32 $0x1B400  }
0x19: {  	s15 =	simm.s32 $0x3;
	s17 =	simm.s32 $0x0;
	s0 =	sadd.s32 $0x24A00, s0  }
0x1a: {  	s25 =	smax.u32 s4, $0x1;
	s4 =	simm.s32 $0x0;
	[dreg:$0x15] =	wrdreg s0  }
0x1b: {  	v0 =	vimm.f32 $0.0e+00;
	[dreg:$0x16] =	wrdreg s25;
	s25 =	sor.u32 $0x18D00, s2;
	s0 =	simm.s32 $0x1A000  }
.LBB2_1:
0x1c: {  	[dreg:$0x19] =	wrdreg s4  }
0x1d: {  	s23 =	simm.s32 $0x0;
	s2 =	rddreg [dreg:$0x6];
	s5 =	simm.s32 $0x1C800  }
0x1e: {  	[tilespmem:s5], [sflag:$0x5] =	stream.linear.gather [hbm4b:s2+s23], $0x80, $0x38;
	[tilespmem:$0x1C880] =	vst v63  }
0x1f: {  	_ =	swait.ge [sflag:s31], $0x80  }
0x20: {  	[sflag:s31] =	ssyncset.done $0x0  }
0x21: {  	[sflag:s31] =	ssyncadd.s32 $0xFFFFFF80  }
0x22: {  	v1 =	vld [tilespmem:$0x1C800]  }
0x23: {  	s26 =	sand.u32 $0x7E00, s23  }
0x24: {  	s4 =	sand.u32 $0x70, s23;
	s28 =	sshrl.u32 s26, $0x2  }
0x25: {  	s2 =	simm.s32 $0x40;
	s5 =	sor.u32 s4, s28;
	s4 =	simm.s32 $0x0  }
.LBB2_2:
0x26: {  	p0 =	sne.s32 s2, $0x4FC0  }
0x27: {  	[tilespmem:s5+$0x1A000] =	vst v0;
	s4 =	sadd.s32 $0x10, s4;
	s5 =	smov.u32 s2;
	s2 =	sadd.s32 $0x40, s2  }
.Ltmp0:
0x28: {  	(pc) =	sbr.rel @p0 .LBB2_2-.Ltmp0, $4  }
0x29: {  	_ = 	snop  }
0x2a: {  	s5 =	sand.u32 $0x7E00, s5  }
0x2b: {  	s6 =	sand.u32 $0x70, s4;
	s5 =	sshrl.u32 s5, $0x2  }
0x2c: {  	s5 =	sor.u32 s6, s5  }
0x2d: {  	[tilespmem:s5+$0x1A000] =	vst v0  }
0x2e: {  	[spmem:s8] =	stream.linear.scatter [tilespmem:s0], [sflag:$0x5], $0x1400, $0x38;
	[tilespmem:$0x1C880] =	vst v63  }
0x2f: {  	_ =	swait.ge [sflag:s31], $0x1400  }
0x30: {  	[sflag:s31] =	ssyncset.done $0x0  }
0x31: {  	s2 =	rddreg [dreg:$0x8];
	[sflag:s31] =	ssyncadd.s32 $0xFFFFEC00  }
0x32: {  	[spmem:s2] =	stream.linear.scatter [tilespmem:s0], [sflag:$0x5], $0x1400, $0x38;
	[tilespmem:$0x1C880] =	vst v63  }
0x33: {  	_ =	swait.ge [sflag:s31], $0x1400  }
0x34: {  	[sflag:s31] =	ssyncset.done $0x0  }
0x35: {  	s28 =	rddreg [dreg:$0x9];
	[sflag:s31] =	ssyncadd.s32 $0xFFFFEC00  }
0x36: {  	[spmem:s28] =	stream.linear.scatter [tilespmem:s0], [sflag:$0x5], $0x1400, $0x38;
	[tilespmem:$0x1C880] =	vst v63  }
0x37: {  	_ =	swait.ge [sflag:s31], $0x1400  }
0x38: {  	[sflag:s31] =	ssyncset.done $0x0  }
0x39: {  	s4 =	rddreg [dreg:$0xa];
	[sflag:s31] =	ssyncadd.s32 $0xFFFFEC00  }
0x3a: {  	[spmem:s4] =	stream.linear.scatter [tilespmem:s0], [sflag:$0x5], $0x1400, $0x38;
	[tilespmem:$0x1C880] =	vst v63  }
0x3b: {  	_ =	swait.ge [sflag:s31], $0x1400  }
0x3c: {  	[sflag:s31] =	ssyncset.done $0x0  }
0x3d: {  	s5 =	rddreg [dreg:$0xb];
	[sflag:s31] =	ssyncadd.s32 $0xFFFFEC00  }
0x3e: {  	[spmem:s5] =	stream.linear.scatter [tilespmem:s0], [sflag:$0x5], $0x1400, $0x38;
	[tilespmem:$0x1C880] =	vst v63  }
0x3f: {  	_ =	swait.ge [sflag:s31], $0x1400  }
0x40: {  	[sflag:s31] =	ssyncset.done $0x0  }
0x41: {  	s6 =	rddreg [dreg:$0xc];
	[sflag:s31] =	ssyncadd.s32 $0xFFFFEC00  }
0x42: {  	[spmem:s6] =	stream.linear.scatter [tilespmem:s0], [sflag:$0x5], $0x1400, $0x38;
	[tilespmem:$0x1C880] =	vst v63  }
0x43: {  	_ =	swait.ge [sflag:s31], $0x1400  }
0x44: {  	[sflag:s31] =	ssyncset.done $0x0  }
0x45: {  	s8 =	rddreg [dreg:$0xd];
	[sflag:s31] =	ssyncadd.s32 $0xFFFFEC00  }
0x46: {  	[spmem:s8] =	stream.linear.scatter [tilespmem:s0], [sflag:$0x5], $0x1400, $0x38;
	[tilespmem:$0x1C880] =	vst v63  }
0x47: {  	_ =	swait.ge [sflag:s31], $0x1400  }
0x48: {  	[sflag:s31] =	ssyncset.done $0x0  }
0x49: {  	s16 =	rddreg [dreg:$0xe];
	[sflag:s31] =	ssyncadd.s32 $0xFFFFEC00  }
0x4a: {  	[spmem:s16] =	stream.linear.scatter [tilespmem:s0], [sflag:$0x5], $0x1400, $0x38;
	[tilespmem:$0x1C880] =	vst v63  }
0x4b: {  	_ =	swait.ge [sflag:s31], $0x1400  }
0x4c: {  	[sflag:s31] =	ssyncset.done $0x0  }
0x4d: {  	s18 =	rddreg [dreg:$0xf];
	[sflag:s31] =	ssyncadd.s32 $0xFFFFEC00  }
0x4e: {  	[spmem:s18] =	stream.linear.scatter [tilespmem:s0], [sflag:$0x5], $0x1400, $0x38;
	[tilespmem:$0x1C880] =	vst v63  }
0x4f: {  	_ =	swait.ge [sflag:s31], $0x1400  }
0x50: {  	[sflag:s31] =	ssyncset.done $0x0  }
0x51: {  	s19 =	rddreg [dreg:$0x10];
	[sflag:s31] =	ssyncadd.s32 $0xFFFFEC00  }
0x52: {  	[spmem:s19] =	stream.linear.scatter [tilespmem:s0], [sflag:$0x5], $0x1400, $0x38;
	[tilespmem:$0x1C880] =	vst v63  }
0x53: {  	_ =	swait.ge [sflag:s31], $0x1400  }
0x54: {  	[sflag:s31] =	ssyncset.done $0x0  }
0x55: {  	s20 =	rddreg [dreg:$0x11];
	[sflag:s31] =	ssyncadd.s32 $0xFFFFEC00  }
0x56: {  	[spmem:s20] =	stream.linear.scatter [tilespmem:s0], [sflag:$0x5], $0x1400, $0x38;
	[tilespmem:$0x1C880] =	vst v63  }
0x57: {  	_ =	swait.ge [sflag:s31], $0x1400  }
0x58: {  	[sflag:s31] =	ssyncset.done $0x0  }
0x59: {  	s21 =	rddreg [dreg:$0x12];
	[sflag:s31] =	ssyncadd.s32 $0xFFFFEC00  }
0x5a: {  	[spmem:s21] =	stream.linear.scatter [tilespmem:s0], [sflag:$0x5], $0x1400, $0x38;
	[tilespmem:$0x1C880] =	vst v63  }
0x5b: {  	_ =	swait.ge [sflag:s31], $0x1400  }
0x5c: {  	[sflag:s31] =	ssyncset.done $0x0  }
0x5d: {  	s22 =	rddreg [dreg:$0x13];
	[sflag:s31] =	ssyncadd.s32 $0xFFFFEC00  }
0x5e: {  	[spmem:s22] =	stream.linear.scatter [tilespmem:s0], [sflag:$0x5], $0x1400, $0x38;
	[tilespmem:$0x1C880] =	vst v63  }
0x5f: {  	_ =	swait.ge [sflag:s31], $0x1400  }
0x60: {  	[sflag:s31] =	ssyncset.done $0x0  }
0x61: {  	s23 =	rddreg [dreg:$0x14];
	[sflag:s31] =	ssyncadd.s32 $0xFFFFEC00  }
0x62: {  	[spmem:s23] =	stream.linear.scatter [tilespmem:s0], [sflag:$0x5], $0x1400, $0x38;
	[tilespmem:$0x1C880] =	vst v63  }
0x63: {  	_ =	swait.ge [sflag:s31], $0x1400  }
0x64: {  	[sflag:s31] =	ssyncset.done $0x0  }
0x65: {  	s26 =	rddreg [dreg:$0x17];
	[sflag:s31] =	ssyncadd.s32 $0xFFFFEC00  }
0x66: {  	[spmem:s26] =	stream.linear.scatter [tilespmem:s0], [sflag:$0x5], $0x1400, $0x38;
	[tilespmem:$0x1C880] =	vst v63  }
0x67: {  	_ =	swait.ge [sflag:s31], $0x1400  }
0x68: {  	[sflag:s31] =	ssyncset.done $0x0  }
0x69: {  	s28 =	rddreg [dreg:$0x18];
	[sflag:s31] =	ssyncadd.s32 $0xFFFFEC00  }
0x6a: {  	[spmem:s28] =	stream.linear.scatter [tilespmem:s0], [sflag:$0x5], $0x1400, $0x38;
	[tilespmem:$0x1C880] =	vst v63  }
0x6b: {  	_ =	swait.ge [sflag:s31], $0x1400  }
0x6c: {  	[sflag:s31] =	ssyncset.done $0x0  }
0x6d: {  	[sflag:s31] =	ssyncadd.s32 $0xFFFFEC00  }
0x6e: {  	s18 =	simm.s32 $0x0;
	[bflag:$0x0] =	sbarrier.arrive $0xFFFF  }
.LBB2_4:
0x6f: {  	s2 =	smul.u32 $0x1C00, s18;
	_ =	sdelay $0x1  }
0x70: {  	s2 =	sadd.s32 s29, s2  }
0x71: {  	s4 =	rddreg [dreg:$0x1];
	s2 =	sshrl.u32 s2, $0x3  }
0x72: {  	s4 =	sadd.s32 s4, s2  }
0x73: {  	[tilespmem:s30], [sflag:$0x5] =	stream.linear.gather [hbm4b:s4+s17], $0x1900, $0x38;
	[tilespmem:$0x1C880] =	vst v63  }
0x74: {  	_ =	swait.ge [sflag:s31], $0x1900  }
0x75: {  	[sflag:s31] =	ssyncset.done $0x0;
	s26 =	rddreg [dreg:$0x5]  }
0x76: {  	s28 =	simm.s32 $0x15C00;
	[sflag:s31] =	ssyncadd.s32 $0xFFFFE700;
	s2 =	sadd.s32 s26, s2  }
0x77: {  	[tilespmem:s28], [sflag:$0x5] =	stream.linear.gather [hbm4b:s2+s17], $0x1900, $0x38;
	[tilespmem:$0x1C880] =	vst v63  }
0x78: {  	_ =	swait.ge [sflag:s31], $0x1900  }
0x79: {  	[sflag:s31] =	ssyncset.done $0x0  }
0x7a: {  	s19 =	simm.s32 $0x0;
	[sflag:s31] =	ssyncadd.s32 $0xFFFFE700  }
0x7b: {  	[tilespmem:s9], [sflag:$0x1] =	stream.indirect.gather [hbm4b:s1+s7], $0x80, s30, s7, $0xb8;
	[tilespmem:$0x1C880] =	vst v63  }
.LBB2_5:
0x7c: {  	s21 =	sshll.u32 s19, $0xA  }
0x7d: {  	s2 =	sor.u32 $0x200, s21  }
0x7e: {  	s20 =	sshrl.u32 s2, $0x2  }
0x7f: {  	s2 =	sadd.s32 $0x14000, s20  }
0x80: {  	[tilespmem:s10], [sflag:$0x2] =	stream.indirect.gather [hbm4b:s1+s7], $0x80, s2, s7, $0xb8;
	[tilespmem:$0x1C880] =	vst v63  }
0x81: {  	_ =	swait.ge [sflag:s11], $0x1400  }
0x82: {  	p0 =	seq.s32 s19, $0x0;
	[sflag:s11] =	ssyncset.done $0x0  }
0x83: {  	s2 =	simm.s32 @!p0 $0x3;
	[sflag:s11] =	ssyncadd.s32 $0xFFFFEC00  }
0x84: {  	_ =	swait.ge @!p0 [sflag:s2], $0x1400  }
0x85: {  	[sflag:s2] =	ssyncset.done @!p0 $0x0  }
0x86: {  	[sflag:s2] =	ssyncadd.s32 @!p0 $0xFFFFEC00  }
0x87: {  	v2 =	vld [tilespmem:s24+$0x80];
	_ =	sdelay $0x3  }
0x88: {  	v3 =	vld [tilespmem:s24+$0xFFFFFF80]  }
0x89: {  	v4 =	vld [tilespmem:s24+$0xFFFFFF00];
	v2 =	vmax.f32 v2, $0.0e+00  }
0x8a: {  	v2 =	vadd.f32 $1.000000010e-07, v2;
	_ =	sdelay $0x1  }
0x8b: {  	v5 =	vmul.f32 v2, v1  }
0x8c: {  	v3 =	vmax.f32 v3, $0.0e+00  }
0x8d: {  	v4 =	vmax.f32 v4, $0.0e+00;
	v3 =	vadd.f32 $1.000000010e-07, v3;
	v5 =	vmul.f32 $1.442695020e+00, v5  }
0x8e: {  	v4 =	vadd.f32 $1.000000010e-07, v4  }
0x8f: {  	v6 =	vmul.f32 v3, v1;
	(erf) = vpow2.f32 v5  }
0x90: {  	v7 =	vmul.f32 v4, v1  }
0x91: {  	v5 =	vmul.f32 $1.442695020e+00, v6  }
0x92: {  	v6 =	vmul.f32 $1.442695020e+00, v7  }
0x93: {  	(erf) = vpow2.f32 v5  }
0x94: {  	(erf) = vpow2.f32 v6;
	_ =	sdelay $0x3  }
0x95: {  	v5 =	vld [tilespmem:s24+$0x0];
	v6 =	vpop (erf)  }
0x96: {  	s22 =	simm.s32 $0x1A100;
	v2 =	vmul.f32 v6, v2  }
0x97: {  	[tilespmem:s22+$0x80] =	vst v6  }
0x98: {  	[tilespmem:s22+$0xC0] =	vst v2  }
0x99: {  	v6 =	vpop (erf);
	v7 =	vld [tilespmem:s24+$0x90]  }
0x9a: {  	v5 =	vmax.f32 v5, $0.0e+00;
	v2 =	vpop (erf)  }
0x9b: {  	v5 =	vadd.f32 $1.000000010e-07, v5;
	v4 =	vmul.f32 v2, v4  }
0x9c: {  	[tilespmem:s22+$0xFFFFFF00] =	vst v2  }
0x9d: {  	v2 =	vmul.f32 v5, v1;
	[tilespmem:s22+$0xFFFFFF40] =	vst v4  }
0x9e: {  	s6 =	sadd.s32 $0x200, s24;
	v4 =	vld [tilespmem:s24+$0xFFFFFF10];
	v7 =	vmax.f32 v7, $0.0e+00  }
0x9f: {  	v8 =	vld [tilespmem:s6+$0x80];
	v2 =	vmul.f32 $1.442695020e+00, v2;
	v7 =	vadd.f32 $1.000000010e-07, v7;
	_ =	sdelay $0x1  }
0xa0: {  	(erf) = vpow2.f32 v2;
	v2 =	vmul.f32 v7, v1;
	_ =	sdelay $0x1  }
0xa1: {  	v4 =	vmax.f32 v4, $0.0e+00;
	v2 =	vmul.f32 $1.442695020e+00, v2  }
0xa2: {  	v8 =	vmax.f32 v8, $0.0e+00;
	v4 =	vadd.f32 $1.000000010e-07, v4  }
0xa3: {  	v9 =	vld [tilespmem:s6+$0xFFFFFF80];
	v8 =	vadd.f32 $1.000000010e-07, v8;
	(erf) = vpow2.f32 v2  }
0xa4: {  	v2 =	vld [tilespmem:s6+$0xFFFFFF00];
	v10 =	vmul.f32 v4, v1  }
0xa5: {  	v11 =	vmul.f32 v8, v1  }
0xa6: {  	v10 =	vmul.f32 $1.442695020e+00, v10;
	_ =	sdelay $0x1  }
0xa7: {  	v12 =	vld [tilespmem:s6+$0x0];
	v9 =	vmax.f32 v9, $0.0e+00;
	(erf) = vpow2.f32 v10;
	v10 =	vmul.f32 $1.442695020e+00, v11  }
0xa8: {  	v9 =	vadd.f32 $1.000000010e-07, v9;
	v3 =	vmul.f32 v6, v3;
	v11 =	vpop (erf);
	v2 =	vmax.f32 v2, $0.0e+00  }
0xa9: {  	v5 =	vmul.f32 v11, v5;
	v2 =	vadd.f32 $1.000000010e-07, v2;
	(erf) = vpow2.f32 v10  }
0xaa: {  	[tilespmem:s22+$0xFFFFFFC0] =	vst v3;
	v3 =	vmul.f32 v9, v1  }
0xab: {  	[tilespmem:s22+$0x40] =	vst v5;
	v5 =	vmul.f32 v2, v1;
	v10 =	vpop (erf)  }
0xac: {  	[tilespmem:s22+$0xFFFFFF80] =	vst v6;
	v6 =	vmax.f32 v12, $0.0e+00;
	v3 =	vmul.f32 $1.442695020e+00, v3;
	v7 =	vmul.f32 v10, v7  }
0xad: {  	v6 =	vadd.f32 $1.000000010e-07, v6;
	[tilespmem:s22+$0x0] =	vst v11;
	v5 =	vmul.f32 $1.442695020e+00, v5  }
0xae: {  	v11 =	vld [tilespmem:s24+$0xFFFFFF90];
	(erf) = vpow2.f32 v3;
	[tilespmem:s22+$0x90] =	vst v10  }
0xaf: {  	v3 =	vld [tilespmem:s24+$0x10];
	v10 =	vmul.f32 v6, v1;
	[tilespmem:s22+$0xD0] =	vst v7;
	(erf) = vpow2.f32 v5  }
0xb0: {  	v5 =	vld [tilespmem:s24+$0xA0];
	v7 =	vpop (erf)  }
0xb1: {  	v10 =	vmul.f32 $1.442695020e+00, v10;
	v4 =	vmul.f32 v7, v4  }
0xb2: {  	[tilespmem:s22+$0xFFFFFF10] =	vst v7;
	v7 =	vpop (erf)  }
0xb3: {  	s23 =	simm.s32 $0x1A300;
	v11 =	vmax.f32 v11, $0.0e+00;
	(erf) = vpow2.f32 v10;
	[tilespmem:s22+$0xFFFFFF50] =	vst v4;
	v4 =	vmul.f32 v7, v8  }
0xb4: {  	v3 =	vmax.f32 v3, $0.0e+00;
	v8 =	vadd.f32 $1.000000010e-07, v11;
	[tilespmem:s23+$0x80] =	vst v7  }
0xb5: {  	v3 =	vadd.f32 $1.000000010e-07, v3;
	v7 =	vld [tilespmem:s24+$0xFFFFFF20];
	v5 =	vmax.f32 v5, $0.0e+00;
	[tilespmem:s23+$0xC0] =	vst v4  }
0xb6: {  	v4 =	vmul.f32 v8, v1;
	v5 =	vadd.f32 $1.000000010e-07, v5;
	v10 =	vld [tilespmem:s6+$0x90]  }
0xb7: {  	v11 =	vmul.f32 v3, v1;
	v12 =	vpop (erf)  }
0xb8: {  	v4 =	vmul.f32 $1.442695020e+00, v4;
	v13 =	vmul.f32 v5, v1;
	v14 =	vpop (erf)  }
0xb9: {  	v11 =	vmul.f32 $1.442695020e+00, v11;
	v2 =	vmul.f32 v14, v2  }
0xba: {  	[tilespmem:s23+$0xFFFFFF00] =	vst v14;
	(erf) = vpow2.f32 v4;
	v4 =	vmax.f32 v7, $0.0e+00;
	v7 =	vmul.f32 $1.442695020e+00, v13  }
0xbb: {  	(erf) = vpow2.f32 v11;
	v4 =	vadd.f32 $1.000000010e-07, v4;
	[tilespmem:s23+$0xFFFFFF40] =	vst v2;
	v2 =	vmax.f32 v10, $0.0e+00  }
0xbc: {  	v9 =	vmul.f32 v12, v9;
	v10 =	vpop (erf);
	(erf) = vpow2.f32 v7;
	v7 =	vld [tilespmem:s6+$0xFFFFFF10];
	v2 =	vadd.f32 $1.000000010e-07, v2  }
0xbd: {  	[tilespmem:s23+$0xFFFFFF80] =	vst v12;
	v6 =	vmul.f32 v10, v6;
	v11 =	vmul.f32 v4, v1  }
0xbe: {  	[tilespmem:s23+$0xFFFFFFC0] =	vst v9;
	v9 =	vmul.f32 v2, v1  }
0xbf: {  	s28 =	sadd.s32 $0x200, s6;
	v12 =	vld [tilespmem:s6+$0xFFFFFF90];
	[tilespmem:s23+$0x40] =	vst v6;
	v6 =	vmul.f32 $1.442695020e+00, v11  }
0xc0: {  	v11 =	vld [tilespmem:s28+$0x80];
	v9 =	vmul.f32 $1.442695020e+00, v9  }
0xc1: {  	[tilespmem:s23+$0x0] =	vst v10;
	(erf) = vpow2.f32 v6;
	v6 =	vmax.f32 v7, $0.0e+00  }
0xc2: {  	v7 =	vld [tilespmem:s6+$0x10];
	v6 =	vadd.f32 $1.000000010e-07, v6  }
0xc3: {  	v17 =	vld [tilespmem:s28+$0x0];
	(erf) = vpow2.f32 v9  }
0xc4: {  	v10 =	vld [tilespmem:s28+$0xFFFFFF80];
	v14 =	vmul.f32 v6, v1;
	v9 =	vpop (erf)  }
0xc5: {  	v15 =	vld [tilespmem:s28+$0xFFFFFF00];
	v12 =	vmax.f32 v12, $0.0e+00;
	v11 =	vmax.f32 v11, $0.0e+00;
	v13 =	vpop (erf)  }
0xc6: {  	v12 =	vadd.f32 $1.000000010e-07, v12;
	v11 =	vadd.f32 $1.000000010e-07, v11;
	v14 =	vmul.f32 $1.442695020e+00, v14;
	v16 =	vpop (erf)  }
0xc7: {  	v8 =	vmul.f32 v9, v8;
	v7 =	vmax.f32 v7, $0.0e+00;
	[tilespmem:s22+$0xFFFFFF90] =	vst v9;
	v5 =	vmul.f32 v16, v5  }
0xc8: {  	v9 =	vmax.f32 v17, $0.0e+00;
	[tilespmem:s22+$0xA0] =	vst v16;
	v16 =	vmul.f32 v11, v1;
	(erf) = vpow2.f32 v14  }
0xc9: {  	v3 =	vmul.f32 v13, v3;
	v9 =	vadd.f32 $1.000000010e-07, v9;
	[tilespmem:s22+$0xE0] =	vst v5;
	v5 =	vmax.f32 v10, $0.0e+00  }
0xca: {  	[tilespmem:s22+$0xFFFFFFD0] =	vst v8;
	v10 =	vmax.f32 v15, $0.0e+00;
	v14 =	vmul.f32 $1.442695020e+00, v16;
	v8 =	vld [tilespmem:s24+$0xB0];
	v5 =	vadd.f32 $1.000000010e-07, v5  }
0xcb: {  	[tilespmem:s22+$0x50] =	vst v3;
	v3 =	vmul.f32 v12, v1;
	v19 =	vmul.f32 v9, v1;
	v15 =	vpop (erf);
	v10 =	vadd.f32 $1.000000010e-07, v10  }
0xcc: {  	v7 =	vadd.f32 $1.000000010e-07, v7;
	v17 =	vpop (erf);
	(erf) = vpow2.f32 v14;
	v16 =	vmul.f32 v5, v1  }
0xcd: {  	[tilespmem:s22+$0x10] =	vst v13;
	v13 =	vld [tilespmem:s24+$0xFFFFFFA0];
	v14 =	vmul.f32 v10, v1;
	v2 =	vmul.f32 v17, v2  }
0xce: {  	v18 =	vmul.f32 v7, v1;
	[tilespmem:s23+$0x90] =	vst v17;
	v16 =	vmul.f32 $1.442695020e+00, v16  }
0xcf: {  	v17 =	vld [tilespmem:s24+$0x20];
	v14 =	vmul.f32 $1.442695020e+00, v14;
	[tilespmem:s23+$0xD0] =	vst v2;
	v2 =	vmul.f32 $1.442695020e+00, v3;
	v8 =	vmax.f32 v8, $0.0e+00  }
0xd0: {  	v8 =	vadd.f32 $1.000000010e-07, v8;
	(erf) = vpow2.f32 v16;
	v16 =	vmul.f32 $1.442695020e+00, v19  }
0xd1: {  	v3 =	vld [tilespmem:s6+$0xA0];
	v19 =	vpop (erf);
	(erf) = vpow2.f32 v14;
	v14 =	vmul.f32 $1.442695020e+00, v18  }
0xd2: {  	v13 =	vmax.f32 v13, $0.0e+00;
	v6 =	vmul.f32 v19, v6;
	v18 =	vmul.f32 v8, v1  }
0xd3: {  	[tilespmem:s22+$0xFFFFFF20] =	vst v15;
	v4 =	vmul.f32 v15, v4;
	v13 =	vadd.f32 $1.000000010e-07, v13  }
0xd4: {  	[tilespmem:s23+$0xFFFFFF10] =	vst v19;
	(erf) = vpow2.f32 v16;
	v16 =	vmax.f32 v17, $0.0e+00;
	v17 =	vmul.f32 $1.442695020e+00, v18  }
0xd5: {  	v15 =	vadd.f32 $1.000000010e-07, v16;
	v16 =	vmul.f32 v13, v1;
	[tilespmem:s23+$0xFFFFFF50] =	vst v6  }
0xd6: {  	s26 =	simm.s32 $0x1A500;
	[tilespmem:s22+$0xFFFFFF60] =	vst v4;
	v3 =	vmax.f32 v3, $0.0e+00;
	v4 =	vld [tilespmem:s6+$0xFFFFFF20];
	v6 =	vpop (erf);
	(erf) = vpow2.f32 v17  }
0xd7: {  	v17 =	vadd.f32 $1.000000010e-07, v3;
	v3 =	vmul.f32 v6, v11;
	[tilespmem:s26+$0x80] =	vst v6;
	v6 =	vmul.f32 $1.442695020e+00, v16  }
0xd8: {  	(erf) = vpow2.f32 v2;
	v2 =	vmul.f32 v15, v1  }
0xd9: {  	v16 =	vld [tilespmem:s24+$0xFFFFFF30];
	v11 =	vmul.f32 v17, v1;
	[tilespmem:s26+$0xC0] =	vst v3  }
0xda: {  	(erf) = vpow2.f32 v14;
	v2 =	vmul.f32 $1.442695020e+00, v2;
	v14 =	vpop (erf);
	v3 =	vld [tilespmem:s28+$0x90]  }
0xdb: {  	(erf) = vpow2.f32 v6;
	v4 =	vmax.f32 v4, $0.0e+00;
	v6 =	vpop (erf);
	v11 =	vmul.f32 $1.442695020e+00, v11  }
0xdc: {  	(erf) = vpow2.f32 v2;
	v2 =	vmul.f32 v6, v10;
	v10 =	vadd.f32 $1.000000010e-07, v4  }
0xdd: {  	v5 =	vmul.f32 v14, v5;
	[tilespmem:s26+$0xFFFFFF00] =	vst v6;
	v6 =	vpop (erf);
	(erf) = vpow2.f32 v11  }
0xde: {  	[tilespmem:s26+$0xFFFFFF40] =	vst v2;
	v2 =	vmax.f32 v16, $0.0e+00;
	v11 =	vmul.f32 v10, v1  }
0xdf: {  	v4 =	vmul.f32 v6, v9;
	[tilespmem:s26+$0xFFFFFFC0] =	vst v5;
	v5 =	vld [tilespmem:s28+$0xFFFFFF10];
	v2 =	vadd.f32 $1.000000010e-07, v2;
	v9 =	vmax.f32 v3, $0.0e+00  }
0xe0: {  	[tilespmem:s26+$0xFFFFFF80] =	vst v14;
	v3 =	vpop (erf);
	v9 =	vadd.f32 $1.000000010e-07, v9;
	v11 =	vmul.f32 $1.442695020e+00, v11  }
0xe1: {  	s5 =	sadd.s32 $0x200, s28;
	v16 =	vld [tilespmem:s28+$0xFFFFFF90];
	[tilespmem:s26+$0x40] =	vst v4;
	v4 =	vmul.f32 v3, v8;
	v8 =	vmul.f32 v2, v1  }
0xe2: {  	[tilespmem:s26+$0x0] =	vst v6;
	v14 =	vpop (erf);
	v6 =	vmul.f32 v9, v1;
	(erf) = vpow2.f32 v11;
	v11 =	vld [tilespmem:s5+$0x80]  }
0xe3: {  	v19 =	vld [tilespmem:s28+$0x10];
	v18 =	vpop (erf);
	v8 =	vmul.f32 $1.442695020e+00, v8  }
0xe4: {  	v12 =	vmul.f32 v14, v12;
	v20 =	vpop (erf);
	v5 =	vmax.f32 v5, $0.0e+00;
	v6 =	vmul.f32 $1.442695020e+00, v6  }
0xe5: {  	v21 =	vpop (erf);
	v5 =	vadd.f32 $1.000000010e-07, v5;
	(erf) = vpow2.f32 v8;
	v8 =	vld [tilespmem:s5+$0xFFFFFF80]  }
0xe6: {  	v7 =	vmul.f32 v18, v7;
	[tilespmem:s23+$0xFFFFFFD0] =	vst v12;
	v12 =	vmax.f32 v16, $0.0e+00;
	v22 =	vpop (erf);
	(erf) = vpow2.f32 v6  }
0xe7: {  	[tilespmem:s23+$0xFFFFFF90] =	vst v14;
	v6 =	vmul.f32 v5, v1;
	v16 =	vmul.f32 v22, v17;
	v17 =	vld [tilespmem:s5+$0xFFFFFF00];
	v11 =	vmax.f32 v11, $0.0e+00  }
0xe8: {  	v23 =	vld [tilespmem:s5+$0x0];
	v13 =	vmul.f32 v20, v13;
	v19 =	vmax.f32 v19, $0.0e+00;
	[tilespmem:s23+$0xA0] =	vst v22;
	v11 =	vadd.f32 $1.000000010e-07, v11  }
0xe9: {  	v12 =	vadd.f32 $1.000000010e-07, v12;
	v15 =	vmul.f32 v21, v15;
	v6 =	vmul.f32 $1.442695020e+00, v6;
	[tilespmem:s23+$0xE0] =	vst v16  }
0xea: {  	[tilespmem:s23+$0x10] =	vst v18;
	v19 =	vadd.f32 $1.000000010e-07, v19;
	v16 =	vld [tilespmem:s6+$0xB0];
	v8 =	vmax.f32 v8, $0.0e+00;
	v18 =	vmul.f32 v11, v1  }
0xeb: {  	[tilespmem:s23+$0x50] =	vst v7;
	v7 =	vmul.f32 v12, v1;
	(erf) = vpow2.f32 v6;
	v6 =	vadd.f32 $1.000000010e-07, v8  }
0xec: {  	[tilespmem:s22+$0xFFFFFFE0] =	vst v13;
	v13 =	vld [tilespmem:s6+$0xFFFFFFA0];
	v14 =	vmul.f32 v19, v1;
	v17 =	vmax.f32 v17, $0.0e+00;
	v18 =	vmul.f32 $1.442695020e+00, v18  }
0xed: {  	[tilespmem:s22+$0x60] =	vst v15;
	v15 =	vld [tilespmem:s6+$0x20];
	v8 =	vmax.f32 v23, $0.0e+00;
	v22 =	vpop (erf);
	v17 =	vadd.f32 $1.000000010e-07, v17;
	v23 =	vmul.f32 v6, v1  }
0xee: {  	v7 =	vmul.f32 $1.442695020e+00, v7;
	v8 =	vadd.f32 $1.000000010e-07, v8;
	v24 =	vpop (erf);
	(erf) = vpow2.f32 v18  }
0xef: {  	[tilespmem:s22+$0xFFFFFFA0] =	vst v20;
	v16 =	vmax.f32 v16, $0.0e+00;
	v20 =	vmul.f32 v17, v1;
	v23 =	vmul.f32 $1.442695020e+00, v23;
	v25 =	vpop (erf)  }
0xf0: {  	[tilespmem:s22+$0x20] =	vst v21;
	v21 =	vld [tilespmem:s24+$0xFFFFFFB0];
	v26 =	vmul.f32 v8, v1;
	v16 =	vadd.f32 $1.000000010e-07, v16;
	v9 =	vmul.f32 v25, v9  }
0xf1: {  	v13 =	vmax.f32 v13, $0.0e+00;
	v20 =	vmul.f32 $1.442695020e+00, v20;
	(erf) = vpow2.f32 v23  }
0xf2: {  	v56 =	vmul.f32 v16, v1;
	[tilespmem:s26+$0xD0] =	vst v9;
	v9 =	vmax.f32 v15, $0.0e+00;
	v15 =	vmul.f32 $1.442695020e+00, v26  }
0xf3: {  	v14 =	vmul.f32 $1.442695020e+00, v14;
	v13 =	vadd.f32 $1.000000010e-07, v13;
	[tilespmem:s26+$0x90] =	vst v25;
	(erf) = vpow2.f32 v20  }
0xf4: {  	v20 =	vld [tilespmem:s28+$0xA0];
	v23 =	vpop (erf);
	v25 =	vmul.f32 $1.442695020e+00, v56;
	(erf) = vpow2.f32 v15  }
0xf5: {  	v18 =	vld [tilespmem:s24+$0x30];
	v15 =	vmax.f32 v21, $0.0e+00;
	v21 =	vmul.f32 v13, v1;
	v5 =	vmul.f32 v23, v5  }
0xf6: {  	v10 =	vmul.f32 v22, v10;
	[tilespmem:s23+$0xFFFFFF20] =	vst v22;
	v9 =	vadd.f32 $1.000000010e-07, v9;
	(erf) = vpow2.f32 v25  }
0xf7: {  	(erf) = vpow2.f32 v7;
	[tilespmem:s26+$0xFFFFFF50] =	vst v5;
	v5 =	vmul.f32 $1.442695020e+00, v21  }
0xf8: {  	[tilespmem:s26+$0xFFFFFF10] =	vst v23;
	v15 =	vadd.f32 $1.000000010e-07, v15;
	v7 =	vmul.f32 v9, v1;
	v22 =	vpop (erf);
	(erf) = vpow2.f32 v14  }
0xf9: {  	v20 =	vmax.f32 v20, $0.0e+00;
	v21 =	vld [tilespmem:s28+$0xFFFFFF20];
	(erf) = vpow2.f32 v5;
	v5 =	vmul.f32 v22, v11  }
0xfa: {  	s8 =	simm.s32 $0x1A700;
	[tilespmem:s23+$0xFFFFFF60] =	vst v10;
	v18 =	vmax.f32 v18, $0.0e+00;
	v14 =	vmul.f32 $1.442695020e+00, v7;
	v20 =	vadd.f32 $1.000000010e-07, v20  }
0xfb: {  	v10 =	vmul.f32 v15, v1;
	[tilespmem:s8+$0x80] =	vst v22;
	v7 =	vadd.f32 $1.000000010e-07, v18  }
0xfc: {  	v11 =	vpop (erf);
	v18 =	vmul.f32 v20, v1;
	(erf) = vpow2.f32 v14;
	v14 =	vld [tilespmem:s6+$0xFFFFFF30];
	[tilespmem:s8+$0xC0] =	vst v5  }
0xfd: {  	v22 =	vmul.f32 v7, v1;
	v57 =	vmul.f32 v11, v6;
	v23 =	vld [tilespmem:s5+$0x90];
	v5 =	vpop (erf)  }
0xfe: {  	v18 =	vmul.f32 $1.442695020e+00, v18;
	v6 =	vmax.f32 v21, $0.0e+00;
	v17 =	vmul.f32 v5, v17  }
0xff: {  	v10 =	vmul.f32 $1.442695020e+00, v10;
	[tilespmem:s8+$0xFFFFFF00] =	vst v5;
	v5 =	vadd.f32 $1.000000010e-07, v6  }
0x100: {  	[tilespmem:s22+$0xF0] =	vst v4;
	v4 =	vmul.f32 $1.442695020e+00, v22;
	v21 =	vpop (erf);
	(erf) = vpow2.f32 v18  }
0x101: {  	[tilespmem:s8+$0xFFFFFF80] =	vst v11;
	v8 =	vmul.f32 v21, v8;
	v6 =	vpop (erf);
	v22 =	vmul.f32 v5, v1  }
0x102: {  	[tilespmem:s8+$0xFFFFFF40] =	vst v17;
	v14 =	vmax.f32 v14, $0.0e+00;
	v17 =	vpop (erf);
	(erf) = vpow2.f32 v10;
	v10 =	vmax.f32 v23, $0.0e+00  }
0x103: {  	v2 =	vmul.f32 v24, v2;
	v18 =	vld [tilespmem:s5+$0xFFFFFF10];
	[tilespmem:s8+$0x40] =	vst v8;
	v8 =	vadd.f32 $1.000000010e-07, v14;
	v10 =	vadd.f32 $1.000000010e-07, v10  }
0x104: {  	[tilespmem:s8+$0x0] =	vst v21;
	v16 =	vmul.f32 v6, v16;
	v11 =	vmul.f32 $1.442695020e+00, v22  }
0x105: {  	[tilespmem:s8+$0xFFFFFFC0] =	vst v57;
	v22 =	vld [tilespmem:s5+$0x10];
	v58 =	vpop (erf);
	v21 =	vmul.f32 v8, v1;
	v23 =	vmul.f32 v10, v1  }
0x106: {  	s16 =	sadd.s32 $0x200, s5;
	[tilespmem:s22+$0xB0] =	vst v3;
	v14 =	vmul.f32 v58, v19;
	v19 =	vpop (erf);
	(erf) = vpow2.f32 v4;
	v4 =	vld [tilespmem:s5+$0xFFFFFF90]  }
0x107: {  	[tilespmem:s23+$0xF0] =	vst v16;
	(erf) = vpow2.f32 v11;
	v11 =	vmul.f32 $1.442695020e+00, v21;
	v21 =	vld [tilespmem:s16+$0x80]  }
0x108: {  	v12 =	vmul.f32 v17, v12;
	v3 =	vpop (erf);
	v18 =	vmax.f32 v18, $0.0e+00;
	[tilespmem:s26+$0x50] =	vst v14;
	v14 =	vld [tilespmem:s16+$0x0];
	v16 =	vmul.f32 $1.442695020e+00, v23  }
0x109: {  	v13 =	vmul.f32 v19, v13;
	v18 =	vadd.f32 $1.000000010e-07, v18;
	(erf) = vpow2.f32 v11;
	v11 =	vld [tilespmem:s16+$0xFFFFFF80];
	v23 =	vpop (erf)  }
0x10a: {  	[tilespmem:s26+$0xFFFFFF90] =	vst v17;
	(erf) = vpow2.f32 v16;
	v16 =	vmul.f32 v23, v20  }
0x10b: {  	[tilespmem:s26+$0xFFFFFFD0] =	vst v12;
	v12 =	vmul.f32 v18, v1;
	v4 =	vmax.f32 v4, $0.0e+00;
	v20 =	vmax.f32 v22, $0.0e+00;
	v22 =	vld [tilespmem:s16+$0xFFFFFF00]  }
0x10c: {  	v9 =	vmul.f32 v3, v9;
	v59 =	vadd.f32 $1.000000010e-07, v4;
	[tilespmem:s26+$0xE0] =	vst v16;
	v16 =	vmax.f32 v21, $0.0e+00  }
0x10d: {  	[tilespmem:s26+$0xA0] =	vst v23;
	v4 =	vmul.f32 $1.442695020e+00, v12;
	v20 =	vadd.f32 $1.000000010e-07, v20;
	v16 =	vadd.f32 $1.000000010e-07, v16  }
0x10e: {  	[tilespmem:s23+$0xFFFFFFE0] =	vst v13;
	v13 =	vmax.f32 v14, $0.0e+00;
	v17 =	vmul.f32 v59, v1;
	v11 =	vmax.f32 v11, $0.0e+00;
	v21 =	vld [tilespmem:s28+$0xB0]  }
0x10f: {  	v13 =	vadd.f32 $1.000000010e-07, v13;
	v12 =	vpop (erf);
	(erf) = vpow2.f32 v4;
	v14 =	vmul.f32 v16, v1  }
0x110: {  	[tilespmem:s22+$0xFFFFFF30] =	vst v24;
	v23 =	vmul.f32 v20, v1;
	v4 =	vld [tilespmem:s28+$0xFFFFFFA0];
	v11 =	vadd.f32 $1.000000010e-07, v11;
	v22 =	vmax.f32 v22, $0.0e+00  }
0x111: {  	[tilespmem:s26+$0x10] =	vst v58;
	v15 =	vmul.f32 v12, v15;
	v22 =	vadd.f32 $1.000000010e-07, v22;
	v14 =	vmul.f32 $1.442695020e+00, v14  }
0x112: {  	[tilespmem:s23+$0x60] =	vst v9;
	v9 =	vld [tilespmem:s28+$0x20];
	v60 =	vpop (erf);
	v17 =	vmul.f32 $1.442695020e+00, v17;
	v27 =	vmul.f32 v13, v1  }
0x113: {  	[tilespmem:s23+$0xFFFFFFA0] =	vst v19;
	v19 =	vpop (erf);
	v61 =	vmul.f32 v11, v1;
	v21 =	vmax.f32 v21, $0.0e+00;
	v29 =	vmul.f32 v22, v1  }
0x114: {  	[tilespmem:s23+$0x20] =	vst v3;
	v3 =	vmul.f32 $1.442695020e+00, v23;
	v23 =	vpop (erf);
	(erf) = vpow2.f32 v14;
	v21 =	vadd.f32 $1.000000010e-07, v21  }
0x115: {  	[tilespmem:s22+$0xFFFFFF70] =	vst v2;
	v26 =	vmul.f32 $1.442695020e+00, v61;
	v4 =	vmax.f32 v4, $0.0e+00;
	v29 =	vmul.f32 $1.442695020e+00, v29;
	v14 =	vpop (erf)  }
0x116: {  	v10 =	vmul.f32 v14, v10;
	[tilespmem:s8+$0x90] =	vst v14;
	v14 =	vmul.f32 v21, v1  }
0x117: {  	v28 =	vld [tilespmem:s6+$0xFFFFFFB0];
	v9 =	vmax.f32 v9, $0.0e+00;
	[tilespmem:s22+$0xFFFFFFB0] =	vst v12;
	v27 =	vmul.f32 $1.442695020e+00, v27;
	(erf) = vpow2.f32 v26  }
0x118: {  	v2 =	vld [tilespmem:s6+$0x30];
	(erf) = vpow2.f32 v29;
	[tilespmem:s8+$0xD0] =	vst v10;
	v10 =	vadd.f32 $1.000000010e-07, v4;
	v4 =	vpop (erf);
	v14 =	vmul.f32 $1.442695020e+00, v14  }
0x119: {  	v9 =	vadd.f32 $1.000000010e-07, v9;
	[tilespmem:s22+$0xFFFFFFF0] =	vst v15;
	(erf) = vpow2.f32 v27;
	v15 =	vld [tilespmem:s5+$0xA0];
	v18 =	vmul.f32 v4, v18  }
0x11a: {  	[tilespmem:s8+$0xFFFFFF10] =	vst v4;
	v12 =	vmul.f32 v10, v1;
	(erf) = vpow2.f32 v14  }
0x11b: {  	v14 =	vmul.f32 v9, v1;
	(erf) = vpow2.f32 v17;
	[tilespmem:s8+$0xFFFFFF50] =	vst v18  }
0x11c: {  	[tilespmem:s23+$0xB0] =	vst v6;
	v62 =	vmax.f32 v28, $0.0e+00;
	v5 =	vmul.f32 v19, v5;
	(erf) = vpow2.f32 v3;
	v17 =	vld [tilespmem:s5+$0xFFFFFF20]  }
0x11d: {  	[tilespmem:s26+$0xFFFFFF20] =	vst v19;
	v4 =	vadd.f32 $1.000000010e-07, v62;
	v3 =	vmul.f32 $1.442695020e+00, v12;
	v14 =	vmul.f32 $1.442695020e+00, v14;
	v6 =	vpop (erf)  }
0x11e: {  	s2 =	simm.s32 $0x1A900;
	v2 =	vmax.f32 v2, $0.0e+00;
	[tilespmem:s26+$0xFFFFFF60] =	vst v5;
	v12 =	vmax.f32 v15, $0.0e+00;
	v15 =	vmul.f32 v6, v16  }
0x11f: {  	[tilespmem:s2+$0x80] =	vst v6;
	(erf) = vpow2.f32 v3;
	v3 =	vmul.f32 v4, v1;
	v6 =	vld [tilespmem:s28+$0xFFFFFF30];
	v12 =	vadd.f32 $1.000000010e-07, v12  }
0x120: {  	v2 =	vadd.f32 $1.000000010e-07, v2;
	[tilespmem:s22+$0x30] =	vst v60;
	(erf) = vpow2.f32 v14  }
0x121: {  	v14 =	vpop (erf);
	[tilespmem:s2+$0xC0] =	vst v15;
	v19 =	vmul.f32 $1.442695020e+00, v3;
	v5 =	vmul.f32 v12, v1;
	v3 =	vmax.f32 v17, $0.0e+00  }
0x122: {  	v16 =	vmul.f32 v2, v1;
	v11 =	vmul.f32 v14, v11;
	[tilespmem:s2+$0xFFFFFF80] =	vst v14;
	v15 =	vpop (erf)  }
0x123: {  	v17 =	vld [tilespmem:s16+$0x90];
	[tilespmem:s2+$0xFFFFFF00] =	vst v15;
	v15 =	vmul.f32 v15, v22;
	v22 =	vpop (erf);
	v18 =	vmul.f32 $1.442695020e+00, v5;
	v5 =	vadd.f32 $1.000000010e-07, v3  }
0x124: {  	[tilespmem:s2+$0xFFFFFFC0] =	vst v11;
	v6 =	vmax.f32 v6, $0.0e+00;
	v11 =	vmul.f32 v22, v13;
	v3 =	vpop (erf);
	v13 =	vmul.f32 $1.442695020e+00, v16  }
0x125: {  	v6 =	vadd.f32 $1.000000010e-07, v6;
	[tilespmem:s2+$0xFFFFFF40] =	vst v15;
	(erf) = vpow2.f32 v18;
	v15 =	vmul.f32 v3, v21  }
0x126: {  	v63 =	vpop (erf);
	v21 =	vld [tilespmem:s16+$0xFFFFFF10];
	[tilespmem:s2+$0x40] =	vst v11;
	v11 =	vmul.f32 v5, v1;
	(erf) = vpow2.f32 v19  }
0x127: {  	[tilespmem:s2+$0x0] =	vst v22;
	v22 =	vmul.f32 v6, v1;
	v18 =	vpop (erf);
	(erf) = vpow2.f32 v13  }
0x128: {  	[tilespmem:s26+$0xF0] =	vst v15;
	v15 =	vmax.f32 v17, $0.0e+00;
	v20 =	vmul.f32 v18, v20;
	v11 =	vmul.f32 $1.442695020e+00, v11  }
0x129: {  	v7 =	vmul.f32 v60, v7;
	[tilespmem:s23+$0xFFFFFF30] =	vst v23;
	v24 =	vmul.f32 v63, v59;
	v19 =	vld [tilespmem:s16+$0xFFFFFF90];
	v14 =	vpop (erf);
	v15 =	vadd.f32 $1.000000010e-07, v15  }
0x12a: {  	v22 =	vmul.f32 $1.442695020e+00, v22;
	v16 =	vpop (erf);
	(erf) = vpow2.f32 v11;
	[tilespmem:s8+$0x50] =	vst v20;
	v20 =	vld [tilespmem:s16+$0x10]  }
0x12b: {  	[tilespmem:s8+$0xFFFFFF90] =	vst v63;
	v17 =	vmul.f32 v16, v9;
	v9 =	vmax.f32 v21, $0.0e+00;
	v21 =	vmul.f32 v15, v1  }
0x12c: {  	s4 =	simm.s32 $0x10;
	s6 =	sadd.s32 $0x200, s16;
	[tilespmem:s8+$0xFFFFFFD0] =	vst v24;
	v13 =	vmul.f32 v14, v10;
	v10 =	vadd.f32 $1.000000010e-07, v9;
	v9 =	vmul.f32 v23, v8  }
.LBB2_6:
0x12d: {  	v23 =	vld [tilespmem:s6+$0x80];
	s4 =	sadd.s32 $0x4, s4;
	v11 =	vmul.f32 $1.442695020e+00, v21;
	[tilespmem:s8+$0x10] =	vst v18;
	(erf) = vpow2.f32 v22;
	v8 =	vmov v6  }
0x12e: {  	v18 =	vld [tilespmem:s6+$0xFFFFFF80];
	p1 =	slt.u32 s4, $0x24;
	v6 =	vmul.f32 v10, v1;
	v24 =	vmax.f32 v19, $0.0e+00;
	v21 =	vpop (erf);
	[tilespmem:s26+$0xFFFFFFE0] =	vst v13  }
0x12f: {  	v22 =	vld [tilespmem:s6+$0x0];
	v20 =	vmax.f32 v20, $0.0e+00;
	(erf) = vpow2.f32 v11;
	v25 =	vmul.f32 v21, v12;
	[tilespmem:s26+$0x60] =	vst v17  }
0x130: {  	v13 =	vadd.f32 $1.000000010e-07, v24;
	v12 =	vld [tilespmem:s6+$0xFFFFFF00];
	v17 =	vmul.f32 $1.442695020e+00, v6;
	v6 =	vadd.f32 $1.000000010e-07, v20;
	[tilespmem:s8+$0xA0] =	vst v21;
	v19 =	vpop (erf)  }
0x131: {  	v20 =	vld [tilespmem:s5+$0xFFFFFFA0];
	[tilespmem:s8+$0xE0] =	vst v25;
	v4 =	vmul.f32 v19, v4;
	v11 =	vpop (erf)  }
0x132: {  	v26 =	vmax.f32 v23, $0.0e+00;
	v23 =	vmul.f32 v13, v1;
	v24 =	vmul.f32 v6, v1;
	v25 =	vld [tilespmem:s5+$0xB0];
	[tilespmem:s26+$0xFFFFFFA0] =	vst v14  }
0x133: {  	v14 =	vmax.f32 v18, $0.0e+00;
	v18 =	vadd.f32 $1.000000010e-07, v26;
	(erf) = vpow2.f32 v17;
	v17 =	vld [tilespmem:s5+$0x20];
	v21 =	vpop (erf);
	[tilespmem:s26+$0x20] =	vst v16  }
0x134: {  	v14 =	vadd.f32 $1.000000010e-07, v14;
	v16 =	vmax.f32 v22, $0.0e+00;
	v22 =	vmul.f32 $1.442695020e+00, v23;
	[tilespmem:s8+$0xFFFFFF20] =	vst v21;
	v23 =	vld [tilespmem:s28+$0xFFFFFFB0]  }
0x135: {  	v12 =	vmax.f32 v12, $0.0e+00;
	v16 =	vadd.f32 $1.000000010e-07, v16;
	v26 =	vmul.f32 v18, v1;
	v27 =	vld [tilespmem:s28+$0x30];
	[tilespmem:s23+$0xFFFFFF70] =	vst v9;
	s28 =	smov.u32 s5;
	s5 =	smov.u32 s16;
	s16 =	smov.u32 s6  }
0x136: {  	v24 =	vmul.f32 $1.442695020e+00, v24;
	v28 =	vadd.f32 $1.000000010e-07, v12;
	v12 =	vmul.f32 v14, v1;
	v9 =	vpop (erf);
	[tilespmem:s23+$0xFFFFFFF0] =	vst v4  }
0x137: {  	v4 =	vmul.f32 v16, v1;
	v26 =	vmul.f32 $1.442695020e+00, v26;
	v25 =	vmax.f32 v25, $0.0e+00;
	[tilespmem:s22+$0x70] =	vst v7;
	s22 =	smov.u32 s23;
	s23 =	smov.u32 s26;
	s26 =	smov.u32 s8  }
0x138: {  	s8 =	smov.u32 s2;
	v7 =	vmul.f32 v28, v1;
	v12 =	vmul.f32 $1.442695020e+00, v12;
	v29 =	vpop (erf);
	v25 =	vadd.f32 $1.000000010e-07, v25;
	[tilespmem:s23+$0xFFFFFF30] =	vst v9  }
0x139: {  	v20 =	vmax.f32 v20, $0.0e+00;
	(erf) = vpow2.f32 v26;
	v15 =	vmul.f32 v29, v15;
	[tilespmem:s22+$0xFFFFFFB0] =	vst v19  }
0x13a: {  	v17 =	vmax.f32 v17, $0.0e+00;
	v7 =	vmul.f32 $1.442695020e+00, v7;
	[tilespmem:s2+$0x90] =	vst v29;
	v19 =	vmul.f32 v25, v1  }
0x13b: {  	v20 =	vadd.f32 $1.000000010e-07, v20;
	v4 =	vmul.f32 $1.442695020e+00, v4;
	(erf) = vpow2.f32 v12;
	[tilespmem:s2+$0xD0] =	vst v15  }
0x13c: {  	v17 =	vadd.f32 $1.000000010e-07, v17;
	(erf) = vpow2.f32 v7;
	v7 =	vld [tilespmem:s5+$0xA0];
	v12 =	vpop (erf);
	v15 =	vmul.f32 $1.442695020e+00, v19;
	[tilespmem:s22+$0x30] =	vst v11  }
0x13d: {  	(erf) = vpow2.f32 v4;
	[tilespmem:s2+$0xFFFFFF10] =	vst v12;
	v4 =	vmul.f32 v12, v10;
	v10 =	vmax.f32 v23, $0.0e+00  }
0x13e: {  	v12 =	vmul.f32 v20, v1;
	(erf) = vpow2.f32 v15;
	v15 =	vmax.f32 v27, $0.0e+00;
	[tilespmem:s23+$0xB0] =	vst v3  }
0x13f: {  	v3 =	vmul.f32 v17, v1;
	[tilespmem:s2+$0xFFFFFF50] =	vst v4;
	(erf) = vpow2.f32 v22;
	v4 =	vadd.f32 $1.000000010e-07, v10  }
0x140: {  	v19 =	vmul.f32 $1.442695020e+00, v12;
	v23 =	vadd.f32 $1.000000010e-07, v15;
	v10 =	vld [tilespmem:s5+$0xFFFFFF20];
	(erf) = vpow2.f32 v24  }
0x141: {  	v5 =	vmul.f32 v21, v5;
	v3 =	vmul.f32 $1.442695020e+00, v3;
	v7 =	vmax.f32 v7, $0.0e+00  }
0x142: {  	v15 =	vpop (erf);
	v12 =	vadd.f32 $1.000000010e-07, v7;
	(erf) = vpow2.f32 v19;
	v7 =	vmul.f32 v4, v1  }
0x143: {  	s2 =	sadd.s32 $0x200, s2;
	v18 =	vmul.f32 v15, v18;
	[tilespmem:s26+$0xFFFFFF60] =	vst v5;
	(erf) = vpow2.f32 v3  }
0x144: {  	v21 =	vmul.f32 v23, v1;
	[tilespmem:s2+$0x80] =	vst v15;
	v15 =	vpop (erf);
	v26 =	vmul.f32 v12, v1;
	v19 =	vld [tilespmem:s28+$0xFFFFFF30]  }
0x145: {  	v7 =	vmul.f32 $1.442695020e+00, v7;
	v14 =	vmul.f32 v15, v14;
	[tilespmem:s2+$0xC0] =	vst v18;
	v5 =	vpop (erf);
	v10 =	vmax.f32 v10, $0.0e+00  }
0x146: {  	[tilespmem:s2+$0xFFFFFF00] =	vst v5;
	v27 =	vmul.f32 v5, v28;
	v22 =	vld [tilespmem:s6+$0x90];
	v24 =	vpop (erf);
	v5 =	vadd.f32 $1.000000010e-07, v10;
	v10 =	vmul.f32 $1.442695020e+00, v26  }
0x147: {  	[tilespmem:s2+$0xFFFFFFC0] =	vst v14;
	v14 =	vmul.f32 v24, v16;
	v3 =	vpop (erf);
	v16 =	vmul.f32 $1.442695020e+00, v21  }
0x148: {  	[tilespmem:s2+$0xFFFFFF40] =	vst v27;
	v26 =	vpop (erf);
	(erf) = vpow2.f32 v10;
	v10 =	vmul.f32 v3, v25  }
0x149: {  	v28 =	vmul.f32 v5, v1;
	v21 =	vld [tilespmem:s6+$0xFFFFFF10];
	[tilespmem:s2+$0x40] =	vst v14;
	v25 =	vmul.f32 v26, v13;
	v18 =	vpop (erf);
	v13 =	vmax.f32 v19, $0.0e+00  }
0x14a: {  	v27 =	vmul.f32 v18, v6;
	v6 =	vadd.f32 $1.000000010e-07, v13;
	[tilespmem:s26+$0xF0] =	vst v10;
	(erf) = vpow2.f32 v7  }
.Ltmp1:
0x14b: {  	v10 =	vmul.f32 $1.442695020e+00, v28;
	[tilespmem:s2+$0xFFFFFF80] =	vst v15;
	v7 =	vmax.f32 v22, $0.0e+00;
	v14 =	vpop (erf);
	(erf) = vpow2.f32 v16;
	(pc) =	sbr.rel @p1 .LBB2_6-.Ltmp1, $4  }
0x14c: {  	v19 =	vld [tilespmem:s6+$0xFFFFFF90];
	[tilespmem:s2+$0x0] =	vst v24;
	v15 =	vadd.f32 $1.000000010e-07, v7;
	v7 =	vmul.f32 v6, v1;
	v13 =	vmul.f32 v14, v20;
	v16 =	vpop (erf)  }
0x14d: {  	v20 =	vld [tilespmem:s6+$0x10];
	[tilespmem:s8+$0xFFFFFFD0] =	vst v25;
	(erf) = vpow2.f32 v10;
	v17 =	vmul.f32 v16, v17  }
0x14e: {  	v10 =	vmax.f32 v21, $0.0e+00;
	v21 =	vmul.f32 v15, v1;
	[tilespmem:s8+$0x50] =	vst v27;
	v22 =	vmul.f32 $1.442695020e+00, v7  }
0x14f: {  	v9 =	vmul.f32 v9, v8;
	s6 =	sadd.s32 $0x200, s6;
	v7 =	vmul.f32 v11, v2;
	v2 =	vmovc v23;
	v10 =	vadd.f32 $1.000000010e-07, v10;
	[tilespmem:s8+$0xFFFFFF90] =	vst v26  }
0x150: {  	v8 =	vmul.f32 $1.442695020e+00, v21  }
0x151: {  	(erf) = vpow2.f32 v22  }
0x152: {  	(erf) = vpow2.f32 v8;
	_ =	sdelay $0x2  }
0x153: {  	v30 =	vpop (erf)  }
0x154: {  	v12 =	vmul.f32 v30, v12  }
0x155: {  	v11 =	vpop (erf)  }
0x156: {  	[tilespmem:s8+$0xA0] =	vst v30;
	v8 =	vpop (erf)  }
0x157: {  	[tilespmem:s8+$0xE0] =	vst v12;
	v32 =	vpop (erf)  }
0x158: {  	v31 =	vld [tilespmem:s5+$0xB0];
	v12 =	vpop (erf)  }
0x159: {  	v24 =	vld [tilespmem:s5+$0xFFFFFFA0];
	v23 =	vpop (erf)  }
0x15a: {  	[tilespmem:s8+$0x10] =	vst v18;
	v15 =	vmul.f32 v23, v15  }
0x15b: {  	[tilespmem:s2+$0x90] =	vst v23  }
0x15c: {  	v33 =	vmul.f32 v10, v1;
	v19 =	vmax.f32 v19, $0.0e+00;
	v34 =	vld [tilespmem:s5+$0x20];
	v20 =	vmax.f32 v20, $0.0e+00;
	[tilespmem:s2+$0xD0] =	vst v15  }
0x15d: {  	v19 =	vadd.f32 $1.000000010e-07, v19;
	v20 =	vadd.f32 $1.000000010e-07, v20;
	v21 =	vmax.f32 v31, $0.0e+00;
	v35 =	vld [tilespmem:s16+$0xA0]  }
0x15e: {  	v18 =	vmul.f32 $1.442695020e+00, v33;
	v24 =	vmax.f32 v24, $0.0e+00;
	v15 =	vadd.f32 $1.000000010e-07, v21  }
0x15f: {  	v25 =	vmul.f32 v19, v1;
	v26 =	vmul.f32 v20, v1;
	v24 =	vadd.f32 $1.000000010e-07, v24  }
0x160: {  	(erf) = vpow2.f32 v18;
	v27 =	vmul.f32 v15, v1  }
0x161: {  	v36 =	vmul.f32 $1.442695020e+00, v25;
	v38 =	vmul.f32 v24, v1;
	v23 =	vmax.f32 v34, $0.0e+00  }
0x162: {  	v23 =	vadd.f32 $1.000000010e-07, v23;
	v37 =	vmul.f32 $1.442695020e+00, v27;
	v21 =	vmax.f32 v35, $0.0e+00  }
0x163: {  	v26 =	vmul.f32 $1.442695020e+00, v26;
	v40 =	vmul.f32 $1.442695020e+00, v38;
	v21 =	vadd.f32 $1.000000010e-07, v21  }
0x164: {  	v39 =	vmul.f32 v23, v1;
	(erf) = vpow2.f32 v37  }
0x165: {  	(erf) = vpow2.f32 v36;
	v41 =	vmul.f32 v21, v1  }
0x166: {  	v18 =	vmul.f32 $1.442695020e+00, v39;
	(erf) = vpow2.f32 v26  }
0x167: {  	(erf) = vpow2.f32 v40;
	v42 =	vmul.f32 $1.442695020e+00, v41  }
0x168: {  	(erf) = vpow2.f32 v18  }
0x169: {  	(erf) = vpow2.f32 v42  }
0x16a: {  	[tilespmem:s26+$0xFFFFFFE0] =	vst v13  }
0x16b: {  	[tilespmem:s26+$0x60] =	vst v17  }
0x16c: {  	[tilespmem:s26+$0xFFFFFFA0] =	vst v14;
	v43 =	vpop (erf)  }
0x16d: {  	[tilespmem:s26+$0x20] =	vst v16;
	v13 =	vpop (erf)  }
0x16e: {  	v45 =	vld [tilespmem:s28+$0xFFFFFFB0];
	[tilespmem:s8+$0xFFFFFF20] =	vst v32;
	v46 =	vmul.f32 v43, v10;
	v44 =	vpop (erf)  }
0x16f: {  	v5 =	vmul.f32 v32, v5;
	[tilespmem:s2+$0xFFFFFF10] =	vst v43;
	v47 =	vpop (erf)  }
0x170: {  	v48 =	vld [tilespmem:s28+$0x30];
	[tilespmem:s2+$0xFFFFFF50] =	vst v46;
	v49 =	vpop (erf)  }
0x171: {  	[tilespmem:s8+$0xFFFFFF60] =	vst v5;
	v53 =	vld [tilespmem:s16+$0xFFFFFF20];
	v51 =	vpop (erf)  }
0x172: {  	[tilespmem:s2+$0xFFFFFF90] =	vst v44;
	v52 =	vpop (erf)  }
0x173: {  	v55 =	vmax.f32 v45, $0.0e+00;
	[tilespmem:s2+$0x10] =	vst v47;
	v54 =	vmul.f32 v52, v21  }
0x174: {  	v5 =	vadd.f32 $1.000000010e-07, v55;
	v50 =	vmul.f32 v44, v19;
	[tilespmem:s2+$0xA0] =	vst v52  }
0x175: {  	v56 =	vmax.f32 v48, $0.0e+00;
	v57 =	vld [tilespmem:s5+$0xFFFFFF30];
	v58 =	vmul.f32 v47, v20;
	[tilespmem:s2+$0xE0] =	vst v54  }
0x176: {  	v61 =	vmul.f32 v5, v1;
	v10 =	vadd.f32 $1.000000010e-07, v56;
	v22 =	vmax.f32 v53, $0.0e+00;
	[tilespmem:s2+$0xFFFFFFD0] =	vst v50;
	v59 =	vld [tilespmem:s16+$0xB0]  }
0x177: {  	v63 =	vadd.f32 $1.000000010e-07, v22;
	v60 =	vld [tilespmem:s16+$0xFFFFFFA0];
	[tilespmem:s2+$0x50] =	vst v58  }
0x178: {  	v28 =	vmul.f32 $1.442695020e+00, v61;
	v62 =	vmul.f32 v10, v1;
	v30 =	vld [tilespmem:s16+$0x20]  }
0x179: {  	v31 =	vmul.f32 v63, v1  }
0x17a: {  	v29 =	vmul.f32 $1.442695020e+00, v62;
	(erf) = vpow2.f32 v28;
	v21 =	vmax.f32 v57, $0.0e+00  }
0x17b: {  	v33 =	vmul.f32 $1.442695020e+00, v31;
	v21 =	vadd.f32 $1.000000010e-07, v21;
	v14 =	vmax.f32 v59, $0.0e+00  }
0x17c: {  	(erf) = vpow2.f32 v29;
	v32 =	vmax.f32 v60, $0.0e+00;
	v14 =	vadd.f32 $1.000000010e-07, v14  }
0x17d: {  	v34 =	vmul.f32 v21, v1;
	v18 =	vadd.f32 $1.000000010e-07, v32;
	v25 =	vmax.f32 v30, $0.0e+00  }
0x17e: {  	(erf) = vpow2.f32 v33;
	v37 =	vadd.f32 $1.000000010e-07, v25;
	v35 =	vmul.f32 v14, v1  }
0x17f: {  	v26 =	vmul.f32 $1.442695020e+00, v34;
	v36 =	vmul.f32 v18, v1  }
0x180: {  	v39 =	vmul.f32 v37, v1;
	v22 =	vmul.f32 $1.442695020e+00, v35  }
0x181: {  	(erf) = vpow2.f32 v26;
	v38 =	vmul.f32 $1.442695020e+00, v36  }
0x182: {  	(erf) = vpow2.f32 v22;
	v22 =	vmul.f32 $1.442695020e+00, v39  }
0x183: {  	(erf) = vpow2.f32 v38  }
0x184: {  	[tilespmem:s26+$0xB0] =	vst v3;
	(erf) = vpow2.f32 v22  }
0x185: {  	[tilespmem:s23+$0xFFFFFF70] =	vst v9;
	v24 =	vmul.f32 v49, v24  }
0x186: {  	[tilespmem:s8+$0xFFFFFFA0] =	vst v49  }
0x187: {  	[tilespmem:s8+$0xFFFFFFE0] =	vst v24;
	v40 =	vpop (erf)  }
0x188: {  	[tilespmem:s22+$0x70] =	vst v7;
	v23 =	vmul.f32 v51, v23;
	v43 =	vld [tilespmem:s5+$0xFFFFFFB0];
	v41 =	vpop (erf)  }
0x189: {  	[tilespmem:s8+$0x20] =	vst v51;
	v42 =	vpop (erf)  }
0x18a: {  	[tilespmem:s8+$0x60] =	vst v23;
	v16 =	vmul.f32 v42, v63;
	v44 =	vpop (erf)  }
0x18b: {  	[tilespmem:s2+$0xFFFFFF20] =	vst v42;
	v45 =	vpop (erf)  }
0x18c: {  	v47 =	vld [tilespmem:s5+$0x30];
	[tilespmem:s2+$0xFFFFFF60] =	vst v16;
	v46 =	vpop (erf)  }
0x18d: {  	v23 =	vmax.f32 v43, $0.0e+00;
	v48 =	vld [tilespmem:s16+$0xFFFFFF30];
	v18 =	vmul.f32 v46, v18;
	v49 =	vpop (erf);
	[tilespmem:s2+$0xFFFFFFA0] =	vst v46  }
0x18e: {  	v50 =	vadd.f32 $1.000000010e-07, v23;
	v20 =	vmul.f32 v49, v37;
	[tilespmem:s2+$0x20] =	vst v49  }
0x18f: {  	[tilespmem:s2+$0xFFFFFFE0] =	vst v18  }
0x190: {  	v4 =	vmul.f32 v11, v4;
	v52 =	vmul.f32 v50, v1;
	v51 =	vld [tilespmem:s16+$0xFFFFFFB0];
	[tilespmem:s2+$0x60] =	vst v20  }
0x191: {  	[tilespmem:s23+$0xFFFFFFB0] =	vst v11;
	v2 =	vmul.f32 v8, v2;
	v16 =	vmax.f32 v47, $0.0e+00;
	v55 =	vld [tilespmem:s16+$0x30]  }
0x192: {  	[tilespmem:s23+$0xFFFFFFF0] =	vst v4;
	v16 =	vadd.f32 $1.000000010e-07, v16;
	v53 =	vmul.f32 $1.442695020e+00, v52;
	v4 =	vmax.f32 v48, $0.0e+00  }
0x193: {  	[tilespmem:s23+$0x30] =	vst v8;
	v6 =	vmul.f32 v12, v6;
	v4 =	vadd.f32 $1.000000010e-07, v4  }
0x194: {  	[tilespmem:s23+$0x70] =	vst v2;
	v54 =	vmul.f32 v16, v1;
	(erf) = vpow2.f32 v53  }
0x195: {  	[tilespmem:s26+$0xFFFFFF30] =	vst v12;
	v15 =	vmul.f32 v13, v15;
	v56 =	vmul.f32 v4, v1;
	v7 =	vmax.f32 v51, $0.0e+00  }
0x196: {  	[tilespmem:s26+$0xFFFFFF70] =	vst v6;
	v3 =	vmul.f32 $1.442695020e+00, v54;
	v7 =	vadd.f32 $1.000000010e-07, v7;
	v58 =	vmax.f32 v55, $0.0e+00  }
0x197: {  	[tilespmem:s8+$0xB0] =	vst v13;
	v5 =	vmul.f32 v40, v5;
	v57 =	vmul.f32 $1.442695020e+00, v56;
	v2 =	vadd.f32 $1.000000010e-07, v58  }
0x198: {  	[tilespmem:s8+$0xF0] =	vst v15;
	(erf) = vpow2.f32 v3;
	v3 =	vmul.f32 v7, v1  }
0x199: {  	[tilespmem:s26+$0xFFFFFFF0] =	vst v5;
	(erf) = vpow2.f32 v57;
	v5 =	vmul.f32 v2, v1  }
0x19a: {  	[tilespmem:s26+$0xFFFFFFB0] =	vst v40;
	v9 =	vmul.f32 v41, v10;
	v3 =	vmul.f32 $1.442695020e+00, v3  }
0x19b: {  	[tilespmem:s26+$0x30] =	vst v41;
	v5 =	vmul.f32 $1.442695020e+00, v5  }
0x19c: {  	[tilespmem:s26+$0x70] =	vst v9;
	(erf) = vpow2.f32 v3;
	v3 =	vmul.f32 v45, v14  }
0x19d: {  	[tilespmem:s8+$0xFFFFFF30] =	vst v44;
	v59 =	vmul.f32 v44, v21;
	v60 =	vpop (erf)  }
0x19e: {  	(erf) = vpow2.f32 v5;
	[tilespmem:s2+$0xF0] =	vst v3;
	v3 =	vmul.f32 v60, v50  }
0x19f: {  	[tilespmem:s8+$0xFFFFFF70] =	vst v59  }
0x1a0: {  	[tilespmem:s2+$0xB0] =	vst v45  }
0x1a1: {  	v61 =	vpop (erf);
	[tilespmem:s8+$0xFFFFFFB0] =	vst v60  }
0x1a2: {  	[tilespmem:s8+$0xFFFFFFF0] =	vst v3;
	v3 =	vpop (erf)  }
0x1a3: {  	v5 =	vmul.f32 v61, v16;
	[tilespmem:s2+$0xFFFFFF30] =	vst v3;
	v3 =	vmul.f32 v3, v4  }
0x1a4: {  	[tilespmem:s8+$0x30] =	vst v61  }
0x1a5: {  	[tilespmem:s8+$0x70] =	vst v5;
	v62 =	vpop (erf)  }
0x1a6: {  	p1 =	sne.s32 s19, $0x18;
	[tilespmem:s2+$0xFFFFFF70] =	vst v3;
	v63 =	vmul.f32 v62, v7  }
.Ltmp2:
0x1a7: {  	[tilespmem:s2+$0xFFFFFFB0] =	vst v62;
	v3 =	vpop (erf);
	(pc) =	sbr.rel @p1 .LBB2_9-.Ltmp2, $4  }
0x1a8: {  	[tilespmem:s2+$0xFFFFFFF0] =	vst v63;
	v2 =	vmul.f32 v3, v2  }
0x1a9: {  	s4 =	sshrl.u32 s21, $0x2;
	[tilespmem:s2+$0x30] =	vst v3  }
0x1aa: {  	s28 =	sadd.s32 $0x15C00, s4;
	[tilespmem:s2+$0x70] =	vst v2  }
0x1ab: {  	[spmem:s3] =	stream.indirect.scatter.add.f32 [tilespmem:s0], [sflag:$0x3], $0x80, s28, s7, $0xb8;
	[tilespmem:$0x1C880] =	vst v63  }
.Ltmp3:
0x1ac: {  	(pc) =	sbr.rel .LBB2_10-.Ltmp3, $4  }
0x1ad: {  	_ = 	snop  }
0x1ae: {  	_ =	swait.ge [sflag:s12], $0x1400  }
0x1af: {  	[sflag:s12] =	ssyncset.done $0x0  }
0x1b0: {  	[sflag:s12] =	ssyncadd.s32 $0xFFFFEC00  }
.LBB2_9:
.Ltmp4:
0x1b1: {  	s2 =	sadd.s32 $0x14100, s4;
	(pc) =	sbr.rel @p0 .LBB2_11-.Ltmp4, $4  }
0x1b2: {  	[tilespmem:s9], [sflag:$0x1] =	stream.indirect.gather [hbm4b:s1+s7], $0x80, s2, s7, $0xb8;
	[tilespmem:$0x1C880] =	vst v63  }
0x1b3: {  	_ =	swait.ge [sflag:s12], $0x1400  }
0x1b4: {  	[sflag:s12] =	ssyncset.done $0x0  }
0x1b5: {  	[sflag:s12] =	ssyncadd.s32 $0xFFFFEC00  }
.LBB2_10:
0x1b6: {  	_ =	swait.ge [sflag:s13], $0x1400  }
0x1b7: {  	[sflag:s13] =	ssyncset.done $0x0  }
0x1b8: {  	[sflag:s13] =	ssyncadd.s32 $0xFFFFEC00  }
.LBB2_11:
0x1b9: {  	v2 =	vld [tilespmem:s25+$0x80];
	_ =	sdelay $0x3  }
0x1ba: {  	v3 =	vld [tilespmem:s25+$0xFFFFFF80]  }
0x1bb: {  	v4 =	vld [tilespmem:s25+$0xFFFFFF00];
	v2 =	vmax.f32 v2, $0.0e+00  }
0x1bc: {  	v2 =	vadd.f32 $1.000000010e-07, v2;
	_ =	sdelay $0x1  }
0x1bd: {  	v5 =	vmul.f32 v2, v1  }
0x1be: {  	v3 =	vmax.f32 v3, $0.0e+00  }
0x1bf: {  	v4 =	vmax.f32 v4, $0.0e+00;
	v3 =	vadd.f32 $1.000000010e-07, v3;
	v5 =	vmul.f32 $1.442695020e+00, v5  }
0x1c0: {  	v4 =	vadd.f32 $1.000000010e-07, v4  }
0x1c1: {  	v6 =	vmul.f32 v3, v1;
	(erf) = vpow2.f32 v5  }
0x1c2: {  	v7 =	vmul.f32 v4, v1  }
0x1c3: {  	v5 =	vmul.f32 $1.442695020e+00, v6  }
0x1c4: {  	v6 =	vmul.f32 $1.442695020e+00, v7  }
0x1c5: {  	(erf) = vpow2.f32 v5  }
0x1c6: {  	(erf) = vpow2.f32 v6;
	_ =	sdelay $0x3  }
0x1c7: {  	v5 =	vld [tilespmem:s25+$0x0];
	v6 =	vpop (erf)  }
0x1c8: {  	s21 =	simm.s32 $0x1B500;
	v2 =	vmul.f32 v6, v2  }
0x1c9: {  	[tilespmem:s21+$0x80] =	vst v6  }
0x1ca: {  	[tilespmem:s21+$0xC0] =	vst v2  }
0x1cb: {  	v6 =	vpop (erf);
	v7 =	vld [tilespmem:s25+$0x90]  }
0x1cc: {  	v5 =	vmax.f32 v5, $0.0e+00;
	v2 =	vpop (erf)  }
0x1cd: {  	v5 =	vadd.f32 $1.000000010e-07, v5;
	v4 =	vmul.f32 v2, v4  }
0x1ce: {  	[tilespmem:s21+$0xFFFFFF00] =	vst v2  }
0x1cf: {  	v2 =	vmul.f32 v5, v1;
	[tilespmem:s21+$0xFFFFFF40] =	vst v4  }
0x1d0: {  	s2 =	sadd.s32 $0x200, s25;
	v4 =	vld [tilespmem:s25+$0xFFFFFF10];
	v7 =	vmax.f32 v7, $0.0e+00  }
0x1d1: {  	v8 =	vld [tilespmem:s2+$0x80];
	v2 =	vmul.f32 $1.442695020e+00, v2;
	v7 =	vadd.f32 $1.000000010e-07, v7;
	_ =	sdelay $0x1  }
0x1d2: {  	(erf) = vpow2.f32 v2;
	v2 =	vmul.f32 v7, v1;
	_ =	sdelay $0x1  }
0x1d3: {  	v4 =	vmax.f32 v4, $0.0e+00;
	v2 =	vmul.f32 $1.442695020e+00, v2  }
0x1d4: {  	v8 =	vmax.f32 v8, $0.0e+00;
	v4 =	vadd.f32 $1.000000010e-07, v4  }
0x1d5: {  	v9 =	vld [tilespmem:s2+$0xFFFFFF80];
	v8 =	vadd.f32 $1.000000010e-07, v8;
	(erf) = vpow2.f32 v2  }
0x1d6: {  	v2 =	vld [tilespmem:s2+$0xFFFFFF00];
	v10 =	vmul.f32 v4, v1  }
0x1d7: {  	v11 =	vmul.f32 v8, v1  }
0x1d8: {  	v10 =	vmul.f32 $1.442695020e+00, v10;
	_ =	sdelay $0x1  }
0x1d9: {  	v12 =	vld [tilespmem:s2+$0x0];
	v9 =	vmax.f32 v9, $0.0e+00;
	(erf) = vpow2.f32 v10;
	v10 =	vmul.f32 $1.442695020e+00, v11  }
0x1da: {  	v9 =	vadd.f32 $1.000000010e-07, v9;
	v3 =	vmul.f32 v6, v3;
	v11 =	vpop (erf);
	v2 =	vmax.f32 v2, $0.0e+00  }
0x1db: {  	v5 =	vmul.f32 v11, v5;
	v2 =	vadd.f32 $1.000000010e-07, v2;
	(erf) = vpow2.f32 v10  }
0x1dc: {  	[tilespmem:s21+$0xFFFFFFC0] =	vst v3;
	v3 =	vmul.f32 v9, v1  }
0x1dd: {  	[tilespmem:s21+$0x40] =	vst v5;
	v5 =	vmul.f32 v2, v1;
	v10 =	vpop (erf)  }
0x1de: {  	[tilespmem:s21+$0xFFFFFF80] =	vst v6;
	v6 =	vmax.f32 v12, $0.0e+00;
	v3 =	vmul.f32 $1.442695020e+00, v3;
	v7 =	vmul.f32 v10, v7  }
0x1df: {  	v6 =	vadd.f32 $1.000000010e-07, v6;
	[tilespmem:s21+$0x0] =	vst v11;
	v5 =	vmul.f32 $1.442695020e+00, v5  }
0x1e0: {  	v11 =	vld [tilespmem:s25+$0xFFFFFF90];
	(erf) = vpow2.f32 v3;
	[tilespmem:s21+$0x90] =	vst v10  }
0x1e1: {  	v3 =	vld [tilespmem:s25+$0x10];
	v10 =	vmul.f32 v6, v1;
	[tilespmem:s21+$0xD0] =	vst v7;
	(erf) = vpow2.f32 v5  }
0x1e2: {  	v5 =	vld [tilespmem:s25+$0xA0];
	v7 =	vpop (erf)  }
0x1e3: {  	v10 =	vmul.f32 $1.442695020e+00, v10;
	v4 =	vmul.f32 v7, v4  }
0x1e4: {  	[tilespmem:s21+$0xFFFFFF10] =	vst v7;
	v7 =	vpop (erf)  }
0x1e5: {  	s22 =	simm.s32 $0x1B700;
	v11 =	vmax.f32 v11, $0.0e+00;
	(erf) = vpow2.f32 v10;
	[tilespmem:s21+$0xFFFFFF50] =	vst v4;
	v4 =	vmul.f32 v7, v8  }
0x1e6: {  	v3 =	vmax.f32 v3, $0.0e+00;
	v8 =	vadd.f32 $1.000000010e-07, v11;
	[tilespmem:s22+$0x80] =	vst v7  }
0x1e7: {  	v3 =	vadd.f32 $1.000000010e-07, v3;
	v7 =	vld [tilespmem:s25+$0xFFFFFF20];
	v5 =	vmax.f32 v5, $0.0e+00;
	[tilespmem:s22+$0xC0] =	vst v4  }
0x1e8: {  	v4 =	vmul.f32 v8, v1;
	v5 =	vadd.f32 $1.000000010e-07, v5;
	v10 =	vld [tilespmem:s2+$0x90]  }
0x1e9: {  	v11 =	vmul.f32 v3, v1;
	v12 =	vpop (erf)  }
0x1ea: {  	v4 =	vmul.f32 $1.442695020e+00, v4;
	v13 =	vmul.f32 v5, v1;
	v14 =	vpop (erf)  }
0x1eb: {  	v11 =	vmul.f32 $1.442695020e+00, v11;
	v2 =	vmul.f32 v14, v2  }
0x1ec: {  	[tilespmem:s22+$0xFFFFFF00] =	vst v14;
	(erf) = vpow2.f32 v4;
	v4 =	vmax.f32 v7, $0.0e+00;
	v7 =	vmul.f32 $1.442695020e+00, v13  }
0x1ed: {  	(erf) = vpow2.f32 v11;
	v4 =	vadd.f32 $1.000000010e-07, v4;
	[tilespmem:s22+$0xFFFFFF40] =	vst v2;
	v2 =	vmax.f32 v10, $0.0e+00  }
0x1ee: {  	v9 =	vmul.f32 v12, v9;
	v10 =	vpop (erf);
	(erf) = vpow2.f32 v7;
	v7 =	vld [tilespmem:s2+$0xFFFFFF10];
	v2 =	vadd.f32 $1.000000010e-07, v2  }
0x1ef: {  	[tilespmem:s22+$0xFFFFFF80] =	vst v12;
	v6 =	vmul.f32 v10, v6;
	v11 =	vmul.f32 v4, v1  }
0x1f0: {  	[tilespmem:s22+$0xFFFFFFC0] =	vst v9;
	v9 =	vmul.f32 v2, v1  }
0x1f1: {  	s26 =	sadd.s32 $0x200, s2;
	v12 =	vld [tilespmem:s2+$0xFFFFFF90];
	[tilespmem:s22+$0x40] =	vst v6;
	v6 =	vmul.f32 $1.442695020e+00, v11  }
0x1f2: {  	v11 =	vld [tilespmem:s26+$0x80];
	v9 =	vmul.f32 $1.442695020e+00, v9  }
0x1f3: {  	[tilespmem:s22+$0x0] =	vst v10;
	(erf) = vpow2.f32 v6;
	v6 =	vmax.f32 v7, $0.0e+00  }
0x1f4: {  	v7 =	vld [tilespmem:s2+$0x10];
	v6 =	vadd.f32 $1.000000010e-07, v6  }
0x1f5: {  	v17 =	vld [tilespmem:s26+$0x0];
	(erf) = vpow2.f32 v9  }
0x1f6: {  	v10 =	vld [tilespmem:s26+$0xFFFFFF80];
	v14 =	vmul.f32 v6, v1;
	v9 =	vpop (erf)  }
0x1f7: {  	v15 =	vld [tilespmem:s26+$0xFFFFFF00];
	v12 =	vmax.f32 v12, $0.0e+00;
	v11 =	vmax.f32 v11, $0.0e+00;
	v13 =	vpop (erf)  }
0x1f8: {  	v12 =	vadd.f32 $1.000000010e-07, v12;
	v11 =	vadd.f32 $1.000000010e-07, v11;
	v14 =	vmul.f32 $1.442695020e+00, v14;
	v16 =	vpop (erf)  }
0x1f9: {  	v8 =	vmul.f32 v9, v8;
	v7 =	vmax.f32 v7, $0.0e+00;
	[tilespmem:s21+$0xFFFFFF90] =	vst v9;
	v5 =	vmul.f32 v16, v5  }
0x1fa: {  	v9 =	vmax.f32 v17, $0.0e+00;
	[tilespmem:s21+$0xA0] =	vst v16;
	v16 =	vmul.f32 v11, v1;
	(erf) = vpow2.f32 v14  }
0x1fb: {  	v3 =	vmul.f32 v13, v3;
	v9 =	vadd.f32 $1.000000010e-07, v9;
	[tilespmem:s21+$0xE0] =	vst v5;
	v5 =	vmax.f32 v10, $0.0e+00  }
0x1fc: {  	[tilespmem:s21+$0xFFFFFFD0] =	vst v8;
	v10 =	vmax.f32 v15, $0.0e+00;
	v14 =	vmul.f32 $1.442695020e+00, v16;
	v8 =	vld [tilespmem:s25+$0xB0];
	v5 =	vadd.f32 $1.000000010e-07, v5  }
0x1fd: {  	[tilespmem:s21+$0x50] =	vst v3;
	v3 =	vmul.f32 v12, v1;
	v19 =	vmul.f32 v9, v1;
	v15 =	vpop (erf);
	v10 =	vadd.f32 $1.000000010e-07, v10  }
0x1fe: {  	v7 =	vadd.f32 $1.000000010e-07, v7;
	v17 =	vpop (erf);
	(erf) = vpow2.f32 v14;
	v16 =	vmul.f32 v5, v1  }
0x1ff: {  	[tilespmem:s21+$0x10] =	vst v13;
	v13 =	vld [tilespmem:s25+$0xFFFFFFA0];
	v14 =	vmul.f32 v10, v1;
	v2 =	vmul.f32 v17, v2  }
0x200: {  	v18 =	vmul.f32 v7, v1;
	[tilespmem:s22+$0x90] =	vst v17;
	v16 =	vmul.f32 $1.442695020e+00, v16  }
0x201: {  	v17 =	vld [tilespmem:s25+$0x20];
	v14 =	vmul.f32 $1.442695020e+00, v14;
	[tilespmem:s22+$0xD0] =	vst v2;
	v2 =	vmul.f32 $1.442695020e+00, v3;
	v8 =	vmax.f32 v8, $0.0e+00  }
0x202: {  	v8 =	vadd.f32 $1.000000010e-07, v8;
	(erf) = vpow2.f32 v16;
	v16 =	vmul.f32 $1.442695020e+00, v19  }
0x203: {  	v3 =	vld [tilespmem:s2+$0xA0];
	v19 =	vpop (erf);
	(erf) = vpow2.f32 v14;
	v14 =	vmul.f32 $1.442695020e+00, v18  }
0x204: {  	v13 =	vmax.f32 v13, $0.0e+00;
	v6 =	vmul.f32 v19, v6;
	v18 =	vmul.f32 v8, v1  }
0x205: {  	[tilespmem:s21+$0xFFFFFF20] =	vst v15;
	v4 =	vmul.f32 v15, v4;
	v13 =	vadd.f32 $1.000000010e-07, v13  }
0x206: {  	[tilespmem:s22+$0xFFFFFF10] =	vst v19;
	(erf) = vpow2.f32 v16;
	v16 =	vmax.f32 v17, $0.0e+00;
	v17 =	vmul.f32 $1.442695020e+00, v18  }
0x207: {  	v15 =	vadd.f32 $1.000000010e-07, v16;
	v16 =	vmul.f32 v13, v1;
	[tilespmem:s22+$0xFFFFFF50] =	vst v6  }
0x208: {  	s23 =	simm.s32 $0x1B900;
	[tilespmem:s21+$0xFFFFFF60] =	vst v4;
	v3 =	vmax.f32 v3, $0.0e+00;
	v4 =	vld [tilespmem:s2+$0xFFFFFF20];
	v6 =	vpop (erf);
	(erf) = vpow2.f32 v17  }
0x209: {  	v17 =	vadd.f32 $1.000000010e-07, v3;
	v3 =	vmul.f32 v6, v11;
	[tilespmem:s23+$0x80] =	vst v6;
	v6 =	vmul.f32 $1.442695020e+00, v16  }
0x20a: {  	(erf) = vpow2.f32 v2;
	v2 =	vmul.f32 v15, v1  }
0x20b: {  	v16 =	vld [tilespmem:s25+$0xFFFFFF30];
	v11 =	vmul.f32 v17, v1;
	[tilespmem:s23+$0xC0] =	vst v3  }
0x20c: {  	(erf) = vpow2.f32 v14;
	v2 =	vmul.f32 $1.442695020e+00, v2;
	v14 =	vpop (erf);
	v3 =	vld [tilespmem:s26+$0x90]  }
0x20d: {  	(erf) = vpow2.f32 v6;
	v4 =	vmax.f32 v4, $0.0e+00;
	v6 =	vpop (erf);
	v11 =	vmul.f32 $1.442695020e+00, v11  }
0x20e: {  	(erf) = vpow2.f32 v2;
	v2 =	vmul.f32 v6, v10;
	v10 =	vadd.f32 $1.000000010e-07, v4  }
0x20f: {  	v5 =	vmul.f32 v14, v5;
	[tilespmem:s23+$0xFFFFFF00] =	vst v6;
	v6 =	vpop (erf);
	(erf) = vpow2.f32 v11  }
0x210: {  	[tilespmem:s23+$0xFFFFFF40] =	vst v2;
	v2 =	vmax.f32 v16, $0.0e+00;
	v11 =	vmul.f32 v10, v1  }
0x211: {  	v4 =	vmul.f32 v6, v9;
	[tilespmem:s23+$0xFFFFFFC0] =	vst v5;
	v5 =	vld [tilespmem:s26+$0xFFFFFF10];
	v2 =	vadd.f32 $1.000000010e-07, v2;
	v9 =	vmax.f32 v3, $0.0e+00  }
0x212: {  	[tilespmem:s23+$0xFFFFFF80] =	vst v14;
	v3 =	vpop (erf);
	v9 =	vadd.f32 $1.000000010e-07, v9;
	v11 =	vmul.f32 $1.442695020e+00, v11  }
0x213: {  	s5 =	sadd.s32 $0x200, s26;
	v16 =	vld [tilespmem:s26+$0xFFFFFF90];
	[tilespmem:s23+$0x40] =	vst v4;
	v4 =	vmul.f32 v3, v8;
	v8 =	vmul.f32 v2, v1  }
0x214: {  	[tilespmem:s23+$0x0] =	vst v6;
	v14 =	vpop (erf);
	v6 =	vmul.f32 v9, v1;
	(erf) = vpow2.f32 v11;
	v11 =	vld [tilespmem:s5+$0x80]  }
0x215: {  	v19 =	vld [tilespmem:s26+$0x10];
	v18 =	vpop (erf);
	v8 =	vmul.f32 $1.442695020e+00, v8  }
0x216: {  	v12 =	vmul.f32 v14, v12;
	v20 =	vpop (erf);
	v5 =	vmax.f32 v5, $0.0e+00;
	v6 =	vmul.f32 $1.442695020e+00, v6  }
0x217: {  	v21 =	vpop (erf);
	v5 =	vadd.f32 $1.000000010e-07, v5;
	(erf) = vpow2.f32 v8;
	v8 =	vld [tilespmem:s5+$0xFFFFFF80]  }
0x218: {  	v7 =	vmul.f32 v18, v7;
	[tilespmem:s22+$0xFFFFFFD0] =	vst v12;
	v12 =	vmax.f32 v16, $0.0e+00;
	v22 =	vpop (erf);
	(erf) = vpow2.f32 v6  }
0x219: {  	[tilespmem:s22+$0xFFFFFF90] =	vst v14;
	v6 =	vmul.f32 v5, v1;
	v16 =	vmul.f32 v22, v17;
	v17 =	vld [tilespmem:s5+$0xFFFFFF00];
	v11 =	vmax.f32 v11, $0.0e+00  }
0x21a: {  	v23 =	vld [tilespmem:s5+$0x0];
	v13 =	vmul.f32 v20, v13;
	v19 =	vmax.f32 v19, $0.0e+00;
	[tilespmem:s22+$0xA0] =	vst v22;
	v11 =	vadd.f32 $1.000000010e-07, v11  }
0x21b: {  	v12 =	vadd.f32 $1.000000010e-07, v12;
	v15 =	vmul.f32 v21, v15;
	v6 =	vmul.f32 $1.442695020e+00, v6;
	[tilespmem:s22+$0xE0] =	vst v16  }
0x21c: {  	[tilespmem:s22+$0x10] =	vst v18;
	v19 =	vadd.f32 $1.000000010e-07, v19;
	v16 =	vld [tilespmem:s2+$0xB0];
	v8 =	vmax.f32 v8, $0.0e+00;
	v18 =	vmul.f32 v11, v1  }
0x21d: {  	[tilespmem:s22+$0x50] =	vst v7;
	v7 =	vmul.f32 v12, v1;
	(erf) = vpow2.f32 v6;
	v6 =	vadd.f32 $1.000000010e-07, v8  }
0x21e: {  	[tilespmem:s21+$0xFFFFFFE0] =	vst v13;
	v13 =	vld [tilespmem:s2+$0xFFFFFFA0];
	v14 =	vmul.f32 v19, v1;
	v17 =	vmax.f32 v17, $0.0e+00;
	v18 =	vmul.f32 $1.442695020e+00, v18  }
0x21f: {  	[tilespmem:s21+$0x60] =	vst v15;
	v15 =	vld [tilespmem:s2+$0x20];
	v8 =	vmax.f32 v23, $0.0e+00;
	v22 =	vpop (erf);
	v17 =	vadd.f32 $1.000000010e-07, v17;
	v23 =	vmul.f32 v6, v1  }
0x220: {  	v7 =	vmul.f32 $1.442695020e+00, v7;
	v8 =	vadd.f32 $1.000000010e-07, v8;
	v24 =	vpop (erf);
	(erf) = vpow2.f32 v18  }
0x221: {  	[tilespmem:s21+$0xFFFFFFA0] =	vst v20;
	v16 =	vmax.f32 v16, $0.0e+00;
	v20 =	vmul.f32 v17, v1;
	v23 =	vmul.f32 $1.442695020e+00, v23;
	v25 =	vpop (erf)  }
0x222: {  	[tilespmem:s21+$0x20] =	vst v21;
	v21 =	vld [tilespmem:s25+$0xFFFFFFB0];
	v26 =	vmul.f32 v8, v1;
	v16 =	vadd.f32 $1.000000010e-07, v16;
	v9 =	vmul.f32 v25, v9  }
0x223: {  	v13 =	vmax.f32 v13, $0.0e+00;
	v20 =	vmul.f32 $1.442695020e+00, v20;
	(erf) = vpow2.f32 v23  }
0x224: {  	v56 =	vmul.f32 v16, v1;
	[tilespmem:s23+$0xD0] =	vst v9;
	v9 =	vmax.f32 v15, $0.0e+00;
	v15 =	vmul.f32 $1.442695020e+00, v26  }
0x225: {  	v14 =	vmul.f32 $1.442695020e+00, v14;
	v13 =	vadd.f32 $1.000000010e-07, v13;
	[tilespmem:s23+$0x90] =	vst v25;
	(erf) = vpow2.f32 v20  }
0x226: {  	v20 =	vld [tilespmem:s26+$0xA0];
	v23 =	vpop (erf);
	v25 =	vmul.f32 $1.442695020e+00, v56;
	(erf) = vpow2.f32 v15  }
0x227: {  	v18 =	vld [tilespmem:s25+$0x30];
	v15 =	vmax.f32 v21, $0.0e+00;
	v21 =	vmul.f32 v13, v1;
	v5 =	vmul.f32 v23, v5  }
0x228: {  	v10 =	vmul.f32 v22, v10;
	[tilespmem:s22+$0xFFFFFF20] =	vst v22;
	v9 =	vadd.f32 $1.000000010e-07, v9;
	(erf) = vpow2.f32 v25  }
0x229: {  	(erf) = vpow2.f32 v7;
	[tilespmem:s23+$0xFFFFFF50] =	vst v5;
	v5 =	vmul.f32 $1.442695020e+00, v21  }
0x22a: {  	[tilespmem:s23+$0xFFFFFF10] =	vst v23;
	v15 =	vadd.f32 $1.000000010e-07, v15;
	v7 =	vmul.f32 v9, v1;
	v22 =	vpop (erf);
	(erf) = vpow2.f32 v14  }
0x22b: {  	v20 =	vmax.f32 v20, $0.0e+00;
	v21 =	vld [tilespmem:s26+$0xFFFFFF20];
	(erf) = vpow2.f32 v5;
	v5 =	vmul.f32 v22, v11  }
0x22c: {  	s8 =	simm.s32 $0x1BB00;
	[tilespmem:s22+$0xFFFFFF60] =	vst v10;
	v18 =	vmax.f32 v18, $0.0e+00;
	v14 =	vmul.f32 $1.442695020e+00, v7;
	v20 =	vadd.f32 $1.000000010e-07, v20  }
0x22d: {  	v10 =	vmul.f32 v15, v1;
	[tilespmem:s8+$0x80] =	vst v22;
	v7 =	vadd.f32 $1.000000010e-07, v18  }
0x22e: {  	v11 =	vpop (erf);
	v18 =	vmul.f32 v20, v1;
	(erf) = vpow2.f32 v14;
	v14 =	vld [tilespmem:s2+$0xFFFFFF30];
	[tilespmem:s8+$0xC0] =	vst v5  }
0x22f: {  	v22 =	vmul.f32 v7, v1;
	v57 =	vmul.f32 v11, v6;
	v23 =	vld [tilespmem:s5+$0x90];
	v5 =	vpop (erf)  }
0x230: {  	v18 =	vmul.f32 $1.442695020e+00, v18;
	v6 =	vmax.f32 v21, $0.0e+00;
	v17 =	vmul.f32 v5, v17  }
0x231: {  	v10 =	vmul.f32 $1.442695020e+00, v10;
	[tilespmem:s8+$0xFFFFFF00] =	vst v5;
	v5 =	vadd.f32 $1.000000010e-07, v6  }
0x232: {  	[tilespmem:s21+$0xF0] =	vst v4;
	v4 =	vmul.f32 $1.442695020e+00, v22;
	v21 =	vpop (erf);
	(erf) = vpow2.f32 v18  }
0x233: {  	[tilespmem:s8+$0xFFFFFF80] =	vst v11;
	v8 =	vmul.f32 v21, v8;
	v6 =	vpop (erf);
	v22 =	vmul.f32 v5, v1  }
0x234: {  	[tilespmem:s8+$0xFFFFFF40] =	vst v17;
	v14 =	vmax.f32 v14, $0.0e+00;
	v17 =	vpop (erf);
	(erf) = vpow2.f32 v10;
	v10 =	vmax.f32 v23, $0.0e+00  }
0x235: {  	v2 =	vmul.f32 v24, v2;
	v18 =	vld [tilespmem:s5+$0xFFFFFF10];
	[tilespmem:s8+$0x40] =	vst v8;
	v8 =	vadd.f32 $1.000000010e-07, v14;
	v10 =	vadd.f32 $1.000000010e-07, v10  }
0x236: {  	[tilespmem:s8+$0x0] =	vst v21;
	v16 =	vmul.f32 v6, v16;
	v11 =	vmul.f32 $1.442695020e+00, v22  }
0x237: {  	[tilespmem:s8+$0xFFFFFFC0] =	vst v57;
	v22 =	vld [tilespmem:s5+$0x10];
	v58 =	vpop (erf);
	v21 =	vmul.f32 v8, v1;
	v23 =	vmul.f32 v10, v1  }
0x238: {  	s16 =	sadd.s32 $0x200, s5;
	[tilespmem:s21+$0xB0] =	vst v3;
	v14 =	vmul.f32 v58, v19;
	v19 =	vpop (erf);
	(erf) = vpow2.f32 v4;
	v4 =	vld [tilespmem:s5+$0xFFFFFF90]  }
0x239: {  	[tilespmem:s22+$0xF0] =	vst v16;
	(erf) = vpow2.f32 v11;
	v11 =	vmul.f32 $1.442695020e+00, v21;
	v21 =	vld [tilespmem:s16+$0x80]  }
0x23a: {  	v12 =	vmul.f32 v17, v12;
	v3 =	vpop (erf);
	v18 =	vmax.f32 v18, $0.0e+00;
	[tilespmem:s23+$0x50] =	vst v14;
	v14 =	vld [tilespmem:s16+$0x0];
	v16 =	vmul.f32 $1.442695020e+00, v23  }
0x23b: {  	v13 =	vmul.f32 v19, v13;
	v18 =	vadd.f32 $1.000000010e-07, v18;
	(erf) = vpow2.f32 v11;
	v11 =	vld [tilespmem:s16+$0xFFFFFF80];
	v23 =	vpop (erf)  }
0x23c: {  	[tilespmem:s23+$0xFFFFFF90] =	vst v17;
	(erf) = vpow2.f32 v16;
	v16 =	vmul.f32 v23, v20  }
0x23d: {  	[tilespmem:s23+$0xFFFFFFD0] =	vst v12;
	v12 =	vmul.f32 v18, v1;
	v4 =	vmax.f32 v4, $0.0e+00;
	v20 =	vmax.f32 v22, $0.0e+00;
	v22 =	vld [tilespmem:s16+$0xFFFFFF00]  }
0x23e: {  	v9 =	vmul.f32 v3, v9;
	v59 =	vadd.f32 $1.000000010e-07, v4;
	[tilespmem:s23+$0xE0] =	vst v16;
	v16 =	vmax.f32 v21, $0.0e+00  }
0x23f: {  	[tilespmem:s23+$0xA0] =	vst v23;
	v4 =	vmul.f32 $1.442695020e+00, v12;
	v20 =	vadd.f32 $1.000000010e-07, v20;
	v16 =	vadd.f32 $1.000000010e-07, v16  }
0x240: {  	[tilespmem:s22+$0xFFFFFFE0] =	vst v13;
	v13 =	vmax.f32 v14, $0.0e+00;
	v17 =	vmul.f32 v59, v1;
	v11 =	vmax.f32 v11, $0.0e+00;
	v21 =	vld [tilespmem:s26+$0xB0]  }
0x241: {  	v13 =	vadd.f32 $1.000000010e-07, v13;
	v12 =	vpop (erf);
	(erf) = vpow2.f32 v4;
	v14 =	vmul.f32 v16, v1  }
0x242: {  	[tilespmem:s21+$0xFFFFFF30] =	vst v24;
	v23 =	vmul.f32 v20, v1;
	v4 =	vld [tilespmem:s26+$0xFFFFFFA0];
	v11 =	vadd.f32 $1.000000010e-07, v11;
	v22 =	vmax.f32 v22, $0.0e+00  }
0x243: {  	[tilespmem:s23+$0x10] =	vst v58;
	v15 =	vmul.f32 v12, v15;
	v22 =	vadd.f32 $1.000000010e-07, v22;
	v14 =	vmul.f32 $1.442695020e+00, v14  }
0x244: {  	[tilespmem:s22+$0x60] =	vst v9;
	v9 =	vld [tilespmem:s26+$0x20];
	v60 =	vpop (erf);
	v17 =	vmul.f32 $1.442695020e+00, v17;
	v27 =	vmul.f32 v13, v1  }
0x245: {  	[tilespmem:s22+$0xFFFFFFA0] =	vst v19;
	v19 =	vpop (erf);
	v61 =	vmul.f32 v11, v1;
	v21 =	vmax.f32 v21, $0.0e+00;
	v29 =	vmul.f32 v22, v1  }
0x246: {  	[tilespmem:s22+$0x20] =	vst v3;
	v3 =	vmul.f32 $1.442695020e+00, v23;
	v23 =	vpop (erf);
	(erf) = vpow2.f32 v14;
	v21 =	vadd.f32 $1.000000010e-07, v21  }
0x247: {  	[tilespmem:s21+$0xFFFFFF70] =	vst v2;
	v26 =	vmul.f32 $1.442695020e+00, v61;
	v4 =	vmax.f32 v4, $0.0e+00;
	v29 =	vmul.f32 $1.442695020e+00, v29;
	v14 =	vpop (erf)  }
0x248: {  	v10 =	vmul.f32 v14, v10;
	[tilespmem:s8+$0x90] =	vst v14;
	v14 =	vmul.f32 v21, v1  }
0x249: {  	v28 =	vld [tilespmem:s2+$0xFFFFFFB0];
	v9 =	vmax.f32 v9, $0.0e+00;
	[tilespmem:s21+$0xFFFFFFB0] =	vst v12;
	v27 =	vmul.f32 $1.442695020e+00, v27;
	(erf) = vpow2.f32 v26  }
0x24a: {  	v2 =	vld [tilespmem:s2+$0x30];
	(erf) = vpow2.f32 v29;
	[tilespmem:s8+$0xD0] =	vst v10;
	v10 =	vadd.f32 $1.000000010e-07, v4;
	v4 =	vpop (erf);
	v14 =	vmul.f32 $1.442695020e+00, v14  }
0x24b: {  	v9 =	vadd.f32 $1.000000010e-07, v9;
	[tilespmem:s21+$0xFFFFFFF0] =	vst v15;
	(erf) = vpow2.f32 v27;
	v15 =	vld [tilespmem:s5+$0xA0];
	v18 =	vmul.f32 v4, v18  }
0x24c: {  	[tilespmem:s8+$0xFFFFFF10] =	vst v4;
	v12 =	vmul.f32 v10, v1;
	(erf) = vpow2.f32 v14  }
0x24d: {  	v14 =	vmul.f32 v9, v1;
	(erf) = vpow2.f32 v17;
	[tilespmem:s8+$0xFFFFFF50] =	vst v18  }
0x24e: {  	[tilespmem:s22+$0xB0] =	vst v6;
	v62 =	vmax.f32 v28, $0.0e+00;
	v5 =	vmul.f32 v19, v5;
	(erf) = vpow2.f32 v3;
	v17 =	vld [tilespmem:s5+$0xFFFFFF20]  }
0x24f: {  	[tilespmem:s23+$0xFFFFFF20] =	vst v19;
	v4 =	vadd.f32 $1.000000010e-07, v62;
	v3 =	vmul.f32 $1.442695020e+00, v12;
	v14 =	vmul.f32 $1.442695020e+00, v14;
	v6 =	vpop (erf)  }
0x250: {  	s2 =	simm.s32 $0x1BD00;
	v2 =	vmax.f32 v2, $0.0e+00;
	[tilespmem:s23+$0xFFFFFF60] =	vst v5;
	v12 =	vmax.f32 v15, $0.0e+00;
	v15 =	vmul.f32 v6, v16  }
0x251: {  	[tilespmem:s2+$0x80] =	vst v6;
	(erf) = vpow2.f32 v3;
	v3 =	vmul.f32 v4, v1;
	v6 =	vld [tilespmem:s26+$0xFFFFFF30];
	v12 =	vadd.f32 $1.000000010e-07, v12  }
0x252: {  	v2 =	vadd.f32 $1.000000010e-07, v2;
	[tilespmem:s21+$0x30] =	vst v60;
	(erf) = vpow2.f32 v14  }
0x253: {  	v14 =	vpop (erf);
	[tilespmem:s2+$0xC0] =	vst v15;
	v19 =	vmul.f32 $1.442695020e+00, v3;
	v5 =	vmul.f32 v12, v1;
	v3 =	vmax.f32 v17, $0.0e+00  }
0x254: {  	v16 =	vmul.f32 v2, v1;
	v11 =	vmul.f32 v14, v11;
	[tilespmem:s2+$0xFFFFFF80] =	vst v14;
	v15 =	vpop (erf)  }
0x255: {  	v17 =	vld [tilespmem:s16+$0x90];
	[tilespmem:s2+$0xFFFFFF00] =	vst v15;
	v15 =	vmul.f32 v15, v22;
	v22 =	vpop (erf);
	v18 =	vmul.f32 $1.442695020e+00, v5;
	v5 =	vadd.f32 $1.000000010e-07, v3  }
0x256: {  	[tilespmem:s2+$0xFFFFFFC0] =	vst v11;
	v6 =	vmax.f32 v6, $0.0e+00;
	v11 =	vmul.f32 v22, v13;
	v3 =	vpop (erf);
	v13 =	vmul.f32 $1.442695020e+00, v16  }
0x257: {  	v6 =	vadd.f32 $1.000000010e-07, v6;
	[tilespmem:s2+$0xFFFFFF40] =	vst v15;
	(erf) = vpow2.f32 v18;
	v15 =	vmul.f32 v3, v21  }
0x258: {  	v63 =	vpop (erf);
	v21 =	vld [tilespmem:s16+$0xFFFFFF10];
	[tilespmem:s2+$0x40] =	vst v11;
	v11 =	vmul.f32 v5, v1;
	(erf) = vpow2.f32 v19  }
0x259: {  	[tilespmem:s2+$0x0] =	vst v22;
	v22 =	vmul.f32 v6, v1;
	v18 =	vpop (erf);
	(erf) = vpow2.f32 v13  }
0x25a: {  	[tilespmem:s23+$0xF0] =	vst v15;
	v15 =	vmax.f32 v17, $0.0e+00;
	v20 =	vmul.f32 v18, v20;
	v11 =	vmul.f32 $1.442695020e+00, v11  }
0x25b: {  	v7 =	vmul.f32 v60, v7;
	[tilespmem:s22+$0xFFFFFF30] =	vst v23;
	v24 =	vmul.f32 v63, v59;
	v19 =	vld [tilespmem:s16+$0xFFFFFF90];
	v14 =	vpop (erf);
	v15 =	vadd.f32 $1.000000010e-07, v15  }
0x25c: {  	v22 =	vmul.f32 $1.442695020e+00, v22;
	v16 =	vpop (erf);
	(erf) = vpow2.f32 v11;
	[tilespmem:s8+$0x50] =	vst v20;
	v20 =	vld [tilespmem:s16+$0x10]  }
0x25d: {  	[tilespmem:s8+$0xFFFFFF90] =	vst v63;
	v17 =	vmul.f32 v16, v9;
	v9 =	vmax.f32 v21, $0.0e+00;
	v21 =	vmul.f32 v15, v1  }
0x25e: {  	s4 =	simm.s32 $0x10;
	s6 =	sadd.s32 $0x200, s16;
	[tilespmem:s8+$0xFFFFFFD0] =	vst v24;
	v13 =	vmul.f32 v14, v10;
	v10 =	vadd.f32 $1.000000010e-07, v9;
	v9 =	vmul.f32 v23, v8  }
.LBB2_12:
0x25f: {  	v23 =	vld [tilespmem:s6+$0x80];
	s4 =	sadd.s32 $0x4, s4;
	v11 =	vmul.f32 $1.442695020e+00, v21;
	[tilespmem:s8+$0x10] =	vst v18;
	(erf) = vpow2.f32 v22;
	v8 =	vmov v6  }
0x260: {  	v18 =	vld [tilespmem:s6+$0xFFFFFF80];
	p0 =	slt.u32 s4, $0x24;
	v6 =	vmul.f32 v10, v1;
	v24 =	vmax.f32 v19, $0.0e+00;
	v21 =	vpop (erf);
	[tilespmem:s23+$0xFFFFFFE0] =	vst v13  }
0x261: {  	v22 =	vld [tilespmem:s6+$0x0];
	v20 =	vmax.f32 v20, $0.0e+00;
	(erf) = vpow2.f32 v11;
	v25 =	vmul.f32 v21, v12;
	[tilespmem:s23+$0x60] =	vst v17  }
0x262: {  	v13 =	vadd.f32 $1.000000010e-07, v24;
	v12 =	vld [tilespmem:s6+$0xFFFFFF00];
	v17 =	vmul.f32 $1.442695020e+00, v6;
	v6 =	vadd.f32 $1.000000010e-07, v20;
	[tilespmem:s8+$0xA0] =	vst v21;
	v19 =	vpop (erf)  }
0x263: {  	v20 =	vld [tilespmem:s5+$0xFFFFFFA0];
	[tilespmem:s8+$0xE0] =	vst v25;
	v4 =	vmul.f32 v19, v4;
	v11 =	vpop (erf)  }
0x264: {  	v26 =	vmax.f32 v23, $0.0e+00;
	v23 =	vmul.f32 v13, v1;
	v24 =	vmul.f32 v6, v1;
	v25 =	vld [tilespmem:s5+$0xB0];
	[tilespmem:s23+$0xFFFFFFA0] =	vst v14  }
0x265: {  	v14 =	vmax.f32 v18, $0.0e+00;
	v18 =	vadd.f32 $1.000000010e-07, v26;
	(erf) = vpow2.f32 v17;
	v17 =	vld [tilespmem:s5+$0x20];
	v21 =	vpop (erf);
	[tilespmem:s23+$0x20] =	vst v16  }
0x266: {  	v14 =	vadd.f32 $1.000000010e-07, v14;
	v16 =	vmax.f32 v22, $0.0e+00;
	v22 =	vmul.f32 $1.442695020e+00, v23;
	[tilespmem:s8+$0xFFFFFF20] =	vst v21;
	v23 =	vld [tilespmem:s26+$0xFFFFFFB0]  }
0x267: {  	v12 =	vmax.f32 v12, $0.0e+00;
	v16 =	vadd.f32 $1.000000010e-07, v16;
	v26 =	vmul.f32 v18, v1;
	v27 =	vld [tilespmem:s26+$0x30];
	[tilespmem:s22+$0xFFFFFF70] =	vst v9;
	s26 =	smov.u32 s5;
	s5 =	smov.u32 s16;
	s16 =	smov.u32 s6  }
0x268: {  	v24 =	vmul.f32 $1.442695020e+00, v24;
	v28 =	vadd.f32 $1.000000010e-07, v12;
	v12 =	vmul.f32 v14, v1;
	v9 =	vpop (erf);
	[tilespmem:s22+$0xFFFFFFF0] =	vst v4  }
0x269: {  	v4 =	vmul.f32 v16, v1;
	v26 =	vmul.f32 $1.442695020e+00, v26;
	v25 =	vmax.f32 v25, $0.0e+00;
	[tilespmem:s21+$0x70] =	vst v7;
	s21 =	smov.u32 s22;
	s22 =	smov.u32 s23;
	s23 =	smov.u32 s8  }
0x26a: {  	s8 =	smov.u32 s2;
	v7 =	vmul.f32 v28, v1;
	v12 =	vmul.f32 $1.442695020e+00, v12;
	v29 =	vpop (erf);
	v25 =	vadd.f32 $1.000000010e-07, v25;
	[tilespmem:s22+$0xFFFFFF30] =	vst v9  }
0x26b: {  	v20 =	vmax.f32 v20, $0.0e+00;
	(erf) = vpow2.f32 v26;
	v15 =	vmul.f32 v29, v15;
	[tilespmem:s21+$0xFFFFFFB0] =	vst v19  }
0x26c: {  	v17 =	vmax.f32 v17, $0.0e+00;
	v7 =	vmul.f32 $1.442695020e+00, v7;
	[tilespmem:s2+$0x90] =	vst v29;
	v19 =	vmul.f32 v25, v1  }
0x26d: {  	v20 =	vadd.f32 $1.000000010e-07, v20;
	v4 =	vmul.f32 $1.442695020e+00, v4;
	(erf) = vpow2.f32 v12;
	[tilespmem:s2+$0xD0] =	vst v15  }
0x26e: {  	v17 =	vadd.f32 $1.000000010e-07, v17;
	(erf) = vpow2.f32 v7;
	v7 =	vld [tilespmem:s5+$0xA0];
	v12 =	vpop (erf);
	v15 =	vmul.f32 $1.442695020e+00, v19;
	[tilespmem:s21+$0x30] =	vst v11  }
0x26f: {  	(erf) = vpow2.f32 v4;
	[tilespmem:s2+$0xFFFFFF10] =	vst v12;
	v4 =	vmul.f32 v12, v10;
	v10 =	vmax.f32 v23, $0.0e+00  }
0x270: {  	v12 =	vmul.f32 v20, v1;
	(erf) = vpow2.f32 v15;
	v15 =	vmax.f32 v27, $0.0e+00;
	[tilespmem:s22+$0xB0] =	vst v3  }
0x271: {  	v3 =	vmul.f32 v17, v1;
	[tilespmem:s2+$0xFFFFFF50] =	vst v4;
	(erf) = vpow2.f32 v22;
	v4 =	vadd.f32 $1.000000010e-07, v10  }
0x272: {  	v19 =	vmul.f32 $1.442695020e+00, v12;
	v23 =	vadd.f32 $1.000000010e-07, v15;
	v10 =	vld [tilespmem:s5+$0xFFFFFF20];
	(erf) = vpow2.f32 v24  }
0x273: {  	v5 =	vmul.f32 v21, v5;
	v3 =	vmul.f32 $1.442695020e+00, v3;
	v7 =	vmax.f32 v7, $0.0e+00  }
0x274: {  	v15 =	vpop (erf);
	v12 =	vadd.f32 $1.000000010e-07, v7;
	(erf) = vpow2.f32 v19;
	v7 =	vmul.f32 v4, v1  }
0x275: {  	s2 =	sadd.s32 $0x200, s2;
	v18 =	vmul.f32 v15, v18;
	[tilespmem:s23+$0xFFFFFF60] =	vst v5;
	(erf) = vpow2.f32 v3  }
0x276: {  	v21 =	vmul.f32 v23, v1;
	[tilespmem:s2+$0x80] =	vst v15;
	v15 =	vpop (erf);
	v26 =	vmul.f32 v12, v1;
	v19 =	vld [tilespmem:s26+$0xFFFFFF30]  }
0x277: {  	v7 =	vmul.f32 $1.442695020e+00, v7;
	v14 =	vmul.f32 v15, v14;
	[tilespmem:s2+$0xC0] =	vst v18;
	v5 =	vpop (erf);
	v10 =	vmax.f32 v10, $0.0e+00  }
0x278: {  	[tilespmem:s2+$0xFFFFFF00] =	vst v5;
	v27 =	vmul.f32 v5, v28;
	v22 =	vld [tilespmem:s6+$0x90];
	v24 =	vpop (erf);
	v5 =	vadd.f32 $1.000000010e-07, v10;
	v10 =	vmul.f32 $1.442695020e+00, v26  }
0x279: {  	[tilespmem:s2+$0xFFFFFFC0] =	vst v14;
	v14 =	vmul.f32 v24, v16;
	v3 =	vpop (erf);
	v16 =	vmul.f32 $1.442695020e+00, v21  }
0x27a: {  	[tilespmem:s2+$0xFFFFFF40] =	vst v27;
	v26 =	vpop (erf);
	(erf) = vpow2.f32 v10;
	v10 =	vmul.f32 v3, v25  }
0x27b: {  	v28 =	vmul.f32 v5, v1;
	v21 =	vld [tilespmem:s6+$0xFFFFFF10];
	[tilespmem:s2+$0x40] =	vst v14;
	v25 =	vmul.f32 v26, v13;
	v18 =	vpop (erf);
	v13 =	vmax.f32 v19, $0.0e+00  }
0x27c: {  	v27 =	vmul.f32 v18, v6;
	v6 =	vadd.f32 $1.000000010e-07, v13;
	[tilespmem:s23+$0xF0] =	vst v10;
	(erf) = vpow2.f32 v7  }
.Ltmp5:
0x27d: {  	v10 =	vmul.f32 $1.442695020e+00, v28;
	[tilespmem:s2+$0xFFFFFF80] =	vst v15;
	v7 =	vmax.f32 v22, $0.0e+00;
	v14 =	vpop (erf);
	(erf) = vpow2.f32 v16;
	(pc) =	sbr.rel @p0 .LBB2_12-.Ltmp5, $4  }
0x27e: {  	v19 =	vld [tilespmem:s6+$0xFFFFFF90];
	[tilespmem:s2+$0x0] =	vst v24;
	v15 =	vadd.f32 $1.000000010e-07, v7;
	v7 =	vmul.f32 v6, v1;
	v13 =	vmul.f32 v14, v20;
	v16 =	vpop (erf)  }
0x27f: {  	v20 =	vld [tilespmem:s6+$0x10];
	[tilespmem:s8+$0xFFFFFFD0] =	vst v25;
	(erf) = vpow2.f32 v10;
	v17 =	vmul.f32 v16, v17  }
0x280: {  	v10 =	vmax.f32 v21, $0.0e+00;
	v21 =	vmul.f32 v15, v1;
	[tilespmem:s8+$0x50] =	vst v27;
	v22 =	vmul.f32 $1.442695020e+00, v7  }
0x281: {  	v9 =	vmul.f32 v9, v8;
	s6 =	sadd.s32 $0x200, s6;
	v7 =	vmul.f32 v11, v2;
	v2 =	vmovc v23;
	v10 =	vadd.f32 $1.000000010e-07, v10;
	[tilespmem:s8+$0xFFFFFF90] =	vst v26  }
0x282: {  	v8 =	vmul.f32 $1.442695020e+00, v21  }
0x283: {  	(erf) = vpow2.f32 v22  }
0x284: {  	(erf) = vpow2.f32 v8;
	_ =	sdelay $0x2  }
0x285: {  	v30 =	vpop (erf)  }
0x286: {  	v12 =	vmul.f32 v30, v12  }
0x287: {  	v11 =	vpop (erf)  }
0x288: {  	[tilespmem:s8+$0xA0] =	vst v30;
	v8 =	vpop (erf)  }
0x289: {  	[tilespmem:s8+$0xE0] =	vst v12;
	v32 =	vpop (erf)  }
0x28a: {  	v31 =	vld [tilespmem:s5+$0xB0];
	v12 =	vpop (erf)  }
0x28b: {  	v24 =	vld [tilespmem:s5+$0xFFFFFFA0];
	v23 =	vpop (erf)  }
0x28c: {  	[tilespmem:s8+$0x10] =	vst v18;
	v15 =	vmul.f32 v23, v15  }
0x28d: {  	[tilespmem:s2+$0x90] =	vst v23  }
0x28e: {  	v33 =	vmul.f32 v10, v1;
	v19 =	vmax.f32 v19, $0.0e+00;
	v34 =	vld [tilespmem:s5+$0x20];
	v20 =	vmax.f32 v20, $0.0e+00;
	[tilespmem:s2+$0xD0] =	vst v15  }
0x28f: {  	v19 =	vadd.f32 $1.000000010e-07, v19;
	v20 =	vadd.f32 $1.000000010e-07, v20;
	v21 =	vmax.f32 v31, $0.0e+00;
	v35 =	vld [tilespmem:s16+$0xA0]  }
0x290: {  	v18 =	vmul.f32 $1.442695020e+00, v33;
	v24 =	vmax.f32 v24, $0.0e+00;
	v15 =	vadd.f32 $1.000000010e-07, v21  }
0x291: {  	v25 =	vmul.f32 v19, v1;
	v26 =	vmul.f32 v20, v1;
	v24 =	vadd.f32 $1.000000010e-07, v24  }
0x292: {  	(erf) = vpow2.f32 v18;
	v27 =	vmul.f32 v15, v1  }
0x293: {  	v36 =	vmul.f32 $1.442695020e+00, v25;
	v38 =	vmul.f32 v24, v1;
	v23 =	vmax.f32 v34, $0.0e+00  }
0x294: {  	v23 =	vadd.f32 $1.000000010e-07, v23;
	v37 =	vmul.f32 $1.442695020e+00, v27;
	v21 =	vmax.f32 v35, $0.0e+00  }
0x295: {  	v26 =	vmul.f32 $1.442695020e+00, v26;
	v40 =	vmul.f32 $1.442695020e+00, v38;
	v21 =	vadd.f32 $1.000000010e-07, v21  }
0x296: {  	v39 =	vmul.f32 v23, v1;
	(erf) = vpow2.f32 v37  }
0x297: {  	(erf) = vpow2.f32 v36;
	v41 =	vmul.f32 v21, v1  }
0x298: {  	v18 =	vmul.f32 $1.442695020e+00, v39;
	(erf) = vpow2.f32 v26  }
0x299: {  	(erf) = vpow2.f32 v40;
	v42 =	vmul.f32 $1.442695020e+00, v41  }
0x29a: {  	(erf) = vpow2.f32 v18  }
0x29b: {  	(erf) = vpow2.f32 v42  }
0x29c: {  	[tilespmem:s23+$0xFFFFFFE0] =	vst v13  }
0x29d: {  	[tilespmem:s23+$0x60] =	vst v17  }
0x29e: {  	[tilespmem:s23+$0xFFFFFFA0] =	vst v14;
	v43 =	vpop (erf)  }
0x29f: {  	[tilespmem:s23+$0x20] =	vst v16;
	v13 =	vpop (erf)  }
0x2a0: {  	v45 =	vld [tilespmem:s26+$0xFFFFFFB0];
	[tilespmem:s8+$0xFFFFFF20] =	vst v32;
	v46 =	vmul.f32 v43, v10;
	v44 =	vpop (erf)  }
0x2a1: {  	v5 =	vmul.f32 v32, v5;
	[tilespmem:s2+$0xFFFFFF10] =	vst v43;
	v47 =	vpop (erf)  }
0x2a2: {  	v48 =	vld [tilespmem:s26+$0x30];
	[tilespmem:s2+$0xFFFFFF50] =	vst v46;
	v49 =	vpop (erf)  }
0x2a3: {  	[tilespmem:s8+$0xFFFFFF60] =	vst v5;
	v53 =	vld [tilespmem:s16+$0xFFFFFF20];
	v51 =	vpop (erf)  }
0x2a4: {  	[tilespmem:s2+$0xFFFFFF90] =	vst v44;
	v52 =	vpop (erf)  }
0x2a5: {  	v55 =	vmax.f32 v45, $0.0e+00;
	[tilespmem:s2+$0x10] =	vst v47;
	v54 =	vmul.f32 v52, v21  }
0x2a6: {  	v5 =	vadd.f32 $1.000000010e-07, v55;
	v50 =	vmul.f32 v44, v19;
	[tilespmem:s2+$0xA0] =	vst v52  }
0x2a7: {  	v56 =	vmax.f32 v48, $0.0e+00;
	v57 =	vld [tilespmem:s5+$0xFFFFFF30];
	v58 =	vmul.f32 v47, v20;
	[tilespmem:s2+$0xE0] =	vst v54  }
0x2a8: {  	v61 =	vmul.f32 v5, v1;
	v10 =	vadd.f32 $1.000000010e-07, v56;
	v22 =	vmax.f32 v53, $0.0e+00;
	[tilespmem:s2+$0xFFFFFFD0] =	vst v50;
	v59 =	vld [tilespmem:s16+$0xB0]  }
0x2a9: {  	v63 =	vadd.f32 $1.000000010e-07, v22;
	v60 =	vld [tilespmem:s16+$0xFFFFFFA0];
	[tilespmem:s2+$0x50] =	vst v58  }
0x2aa: {  	v28 =	vmul.f32 $1.442695020e+00, v61;
	v62 =	vmul.f32 v10, v1;
	v30 =	vld [tilespmem:s16+$0x20]  }
0x2ab: {  	v31 =	vmul.f32 v63, v1  }
0x2ac: {  	v29 =	vmul.f32 $1.442695020e+00, v62;
	(erf) = vpow2.f32 v28;
	v21 =	vmax.f32 v57, $0.0e+00  }
0x2ad: {  	v33 =	vmul.f32 $1.442695020e+00, v31;
	v21 =	vadd.f32 $1.000000010e-07, v21;
	v14 =	vmax.f32 v59, $0.0e+00  }
0x2ae: {  	(erf) = vpow2.f32 v29;
	v32 =	vmax.f32 v60, $0.0e+00;
	v14 =	vadd.f32 $1.000000010e-07, v14  }
0x2af: {  	v34 =	vmul.f32 v21, v1;
	v18 =	vadd.f32 $1.000000010e-07, v32;
	v25 =	vmax.f32 v30, $0.0e+00  }
0x2b0: {  	(erf) = vpow2.f32 v33;
	v37 =	vadd.f32 $1.000000010e-07, v25;
	v35 =	vmul.f32 v14, v1  }
0x2b1: {  	v26 =	vmul.f32 $1.442695020e+00, v34;
	v36 =	vmul.f32 v18, v1  }
0x2b2: {  	v39 =	vmul.f32 v37, v1;
	v22 =	vmul.f32 $1.442695020e+00, v35  }
0x2b3: {  	(erf) = vpow2.f32 v26;
	v38 =	vmul.f32 $1.442695020e+00, v36  }
0x2b4: {  	(erf) = vpow2.f32 v22;
	v22 =	vmul.f32 $1.442695020e+00, v39  }
0x2b5: {  	(erf) = vpow2.f32 v38  }
0x2b6: {  	[tilespmem:s23+$0xB0] =	vst v3;
	(erf) = vpow2.f32 v22  }
0x2b7: {  	[tilespmem:s22+$0xFFFFFF70] =	vst v9;
	v24 =	vmul.f32 v49, v24  }
0x2b8: {  	[tilespmem:s8+$0xFFFFFFA0] =	vst v49  }
0x2b9: {  	[tilespmem:s8+$0xFFFFFFE0] =	vst v24;
	v40 =	vpop (erf)  }
0x2ba: {  	[tilespmem:s21+$0x70] =	vst v7;
	v23 =	vmul.f32 v51, v23;
	v43 =	vld [tilespmem:s5+$0xFFFFFFB0];
	v41 =	vpop (erf)  }
0x2bb: {  	[tilespmem:s8+$0x20] =	vst v51;
	v42 =	vpop (erf)  }
0x2bc: {  	[tilespmem:s8+$0x60] =	vst v23;
	v16 =	vmul.f32 v42, v63;
	v44 =	vpop (erf)  }
0x2bd: {  	[tilespmem:s2+$0xFFFFFF20] =	vst v42;
	v45 =	vpop (erf)  }
0x2be: {  	v47 =	vld [tilespmem:s5+$0x30];
	[tilespmem:s2+$0xFFFFFF60] =	vst v16;
	v46 =	vpop (erf)  }
0x2bf: {  	v23 =	vmax.f32 v43, $0.0e+00;
	v48 =	vld [tilespmem:s16+$0xFFFFFF30];
	v18 =	vmul.f32 v46, v18;
	v49 =	vpop (erf);
	[tilespmem:s2+$0xFFFFFFA0] =	vst v46  }
0x2c0: {  	v50 =	vadd.f32 $1.000000010e-07, v23;
	v20 =	vmul.f32 v49, v37;
	[tilespmem:s2+$0x20] =	vst v49  }
0x2c1: {  	[tilespmem:s2+$0xFFFFFFE0] =	vst v18  }
0x2c2: {  	v4 =	vmul.f32 v11, v4;
	v52 =	vmul.f32 v50, v1;
	v51 =	vld [tilespmem:s16+$0xFFFFFFB0];
	[tilespmem:s2+$0x60] =	vst v20  }
0x2c3: {  	[tilespmem:s22+$0xFFFFFFB0] =	vst v11;
	v2 =	vmul.f32 v8, v2;
	v16 =	vmax.f32 v47, $0.0e+00;
	v55 =	vld [tilespmem:s16+$0x30]  }
0x2c4: {  	[tilespmem:s22+$0xFFFFFFF0] =	vst v4;
	v16 =	vadd.f32 $1.000000010e-07, v16;
	v53 =	vmul.f32 $1.442695020e+00, v52;
	v4 =	vmax.f32 v48, $0.0e+00  }
0x2c5: {  	[tilespmem:s22+$0x30] =	vst v8;
	v6 =	vmul.f32 v12, v6;
	v4 =	vadd.f32 $1.000000010e-07, v4  }
0x2c6: {  	[tilespmem:s22+$0x70] =	vst v2;
	v54 =	vmul.f32 v16, v1;
	(erf) = vpow2.f32 v53  }
0x2c7: {  	[tilespmem:s23+$0xFFFFFF30] =	vst v12;
	v15 =	vmul.f32 v13, v15;
	v56 =	vmul.f32 v4, v1;
	v7 =	vmax.f32 v51, $0.0e+00  }
0x2c8: {  	[tilespmem:s23+$0xFFFFFF70] =	vst v6;
	v3 =	vmul.f32 $1.442695020e+00, v54;
	v7 =	vadd.f32 $1.000000010e-07, v7;
	v58 =	vmax.f32 v55, $0.0e+00  }
0x2c9: {  	[tilespmem:s8+$0xB0] =	vst v13;
	v5 =	vmul.f32 v40, v5;
	v57 =	vmul.f32 $1.442695020e+00, v56;
	v2 =	vadd.f32 $1.000000010e-07, v58  }
0x2ca: {  	[tilespmem:s8+$0xF0] =	vst v15;
	(erf) = vpow2.f32 v3;
	v3 =	vmul.f32 v7, v1  }
0x2cb: {  	[tilespmem:s23+$0xFFFFFFF0] =	vst v5;
	(erf) = vpow2.f32 v57;
	v5 =	vmul.f32 v2, v1  }
0x2cc: {  	[tilespmem:s23+$0xFFFFFFB0] =	vst v40;
	v9 =	vmul.f32 v41, v10;
	v3 =	vmul.f32 $1.442695020e+00, v3  }
0x2cd: {  	[tilespmem:s23+$0x30] =	vst v41;
	v5 =	vmul.f32 $1.442695020e+00, v5  }
0x2ce: {  	[tilespmem:s23+$0x70] =	vst v9;
	(erf) = vpow2.f32 v3;
	v3 =	vmul.f32 v45, v14  }
0x2cf: {  	[tilespmem:s8+$0xFFFFFF30] =	vst v44;
	v59 =	vmul.f32 v44, v21;
	v60 =	vpop (erf)  }
0x2d0: {  	(erf) = vpow2.f32 v5;
	[tilespmem:s2+$0xF0] =	vst v3;
	v3 =	vmul.f32 v60, v50  }
0x2d1: {  	[tilespmem:s8+$0xFFFFFF70] =	vst v59  }
0x2d2: {  	[tilespmem:s2+$0xB0] =	vst v45  }
0x2d3: {  	v61 =	vpop (erf);
	[tilespmem:s8+$0xFFFFFFB0] =	vst v60  }
0x2d4: {  	[tilespmem:s8+$0xFFFFFFF0] =	vst v3;
	v3 =	vpop (erf)  }
0x2d5: {  	v5 =	vmul.f32 v61, v16;
	[tilespmem:s2+$0xFFFFFF30] =	vst v3;
	v3 =	vmul.f32 v3, v4  }
0x2d6: {  	[tilespmem:s8+$0x30] =	vst v61  }
0x2d7: {  	s19 =	sadd.s32 $0x1, s19;
	[tilespmem:s8+$0x70] =	vst v5;
	v62 =	vpop (erf)  }
0x2d8: {  	p0 =	sne.s32 s19, $0x19;
	[tilespmem:s2+$0xFFFFFF70] =	vst v3;
	v63 =	vmul.f32 v62, v7  }
.Ltmp6:
0x2d9: {  	[tilespmem:s2+$0xFFFFFFB0] =	vst v62;
	v3 =	vpop (erf);
	(pc) =	sbr.rel @p0 .LBB2_5-.Ltmp6, $4  }
0x2da: {  	[tilespmem:s2+$0xFFFFFFF0] =	vst v63;
	v2 =	vmul.f32 v3, v2  }
0x2db: {  	[tilespmem:s2+$0x30] =	vst v3  }
0x2dc: {  	s28 =	sadd.s32 $0x15C00, s20;
	[tilespmem:s2+$0x70] =	vst v2  }
0x2dd: {  	[spmem:s3] =	stream.indirect.scatter.add.f32 [tilespmem:s14], [sflag:$0x4], $0x80, s28, s7, $0xb8;
	[tilespmem:$0x1C880] =	vst v63  }
0x2de: {  	s18 =	sadd.s32 $0x1, s18  }
0x2df: {  	_ =	swait.ge [sflag:s15], $0x1400;
	p0 =	sne.s32 s18, $0xA  }
.Ltmp7:
0x2e0: {  	[sflag:s15] =	ssyncset.done $0x0;
	(pc) =	sbr.rel @p0 .LBB2_4-.Ltmp7, $4  }
0x2e1: {  	[sflag:s15] =	ssyncadd.s32 $0xFFFFEC00  }
0x2e2: {  	_ =	swait.ge [sflag:s13], $0x1400  }
0x2e3: {  	[sflag:s13] =	ssyncset.done $0x0  }
0x2e4: {  	[sflag:s13] =	ssyncadd.s32 $0xFFFFEC00  }
0x2e5: {  	s2 =	stileid.u32;
	[bflag:$0x0] =	sbarrier.arrive $0xFFFF  }
0x2e6: {  	s2 =	sshll.u32 s2, $0x6;
	s8 =	rddreg [dreg:$0x7]  }
0x2e7: {  	s5 =	rddreg [dreg:$0x15];
	s2 =	sor.u32 $0x1C05, s2;
	s4 =	sshrl.u32 s8, $0x3  }
0x2e8: {  	[hbm:s5], [sflag:s2] =	dma.local [spmem:s4], $0x2800  }
0x2e9: {  	_ =	swait.ge [sflag:s31], $0x2800  }
0x2ea: {  	s26 =	rddreg [dreg:$0x19]  }
0x2eb: {  	s28 =	rddreg [dreg:$0x16];
	s4 =	sadd.s32 $0x1, s26  }
0x2ec: {  	p0 =	sne.s32 s4, s28  }
.Ltmp8:
0x2ed: {  	_ = 	snop;
	(pc) =	sbr.rel @p0 .LBB2_1-.Ltmp8, $3  }
0x2ee: {  	_ =	sdelay $0x1  }
0x2ef: {  	[sflag:s31] =	ssyncset.done $0x0  }
0x2f0: {  	[sflag:s31] =	ssyncadd.s32 $0xFFFFD800  }
0x2f1: {  	_ =	sfence.sel $0x180000  }
0x2f2: {  	[bflag:$0x0] =	sbarrier.arrive $0xFFFF  }
0x2f3: {  	_ =	strace $0x90000047  }
0x2f4: {  	s0 =	stileid.u32;
	[bflag:$0x2] =	sbarrier.arrive $0xFFFF  }
0x2f5: {  	p0 =	sne.s32 s0, $0x0;
	s0 =	rddreg [dreg:$0x4]  }
0x2f6: {  	s0 =	sadd.s32 @!p0 $0x100000, s0  }
0x2f7: {  	[sflag:s0] =	ssyncadd.tile.s32 @!p0 $0x1;
	_ =	shalt  }
.Lfunc_end2:
_tile_overlayer_lowered:
.L_overlay_start_2:
0x2f8: {  	(tag) =	ssettag $0x2  }
0x2f9: {  	s0 =	rddreg [dreg:$0x0];
	s2 =	stileid.u32  }
0x2fa: {  	s1 =	rddreg [dreg:$0x1];
	p0 =	sne.s32 s2, $0x0  }
0x2fb: {  	s3 =	rddreg [dreg:$0x2];
	[bflag:$0x3] =	sbarrier.arrive $0xFFFF;
	s2 =	simm.s32 @!p0 $0x1C05  }
0x2fc: {  	[timem:s3], [sflag:s2] =	dma.local @!p0 [hbm:s0], s1  }
0x2fd: {  	s0 =	simm.s32 @!p0 $0x5  }
0x2fe: {  	_ =	swait.ge @!p0 [sflag:s0], s1  }
0x2ff: {  	s1 =	ssub.s32 @!p0 $0x0, s1;
	[sflag:s0] =	ssyncset.done @!p0 $0x0  }
0x300: {  	[sflag:s0] =	ssyncadd.s32 @!p0 s1  }
0x301: {  	[bflag:$0x3] =	sbarrier.arrive $0xFFFF  }
0x302: {  	_ =	shalt  }

</sc_bundles>
